<compile_context>
chip_gen: v7x
topology: tpu7x:2x2x1
jax: 0.10.2.dev20260603
libtpu: 0.0.44.dev20260713+nightly
codegen_flags: <defaults>
</compile_context>

<pallas_src>
import functools

import jax
import jax.numpy as jnp
from jax import lax
from jax.experimental import pallas as pl
from jax.experimental.pallas import tpu as pltpu
from jax.experimental.pallas import tpu_sc as plsc

N_NODES = 10000
D = 128
CHUNK = 128
N_TILES = 16
N_CORES = 2
NW = N_CORES * N_TILES
N_PAD = 10240
SLICE = N_PAD // N_TILES


def _make_counts_kernel(main_rows: int, aux_rows: int):
    base_rows = (main_rows + aux_rows) // NW
    main_last = base_rows - aux_rows
    assert base_rows % 8 == 0 and main_last % 8 == 0 and main_last >= 0
    assert (NW - 1) * base_rows + main_last == main_rows
    mesh = plsc.VectorSubcoreMesh(core_axis_name="c", subcore_axis_name="s")

    group = 20
    assert base_rows % group == 0

    @functools.partial(
        pl.kernel,
        mesh=mesh,
        out_type=[jax.ShapeDtypeStruct((N_PAD,), jnp.float32),
                  jax.ShapeDtypeStruct((N_PAD,), jnp.float32)],
        scratch_types=[
            pltpu.VMEM((base_rows, CHUNK), jnp.int32),
            pltpu.VMEM((CHUNK,), jnp.float32),
            pltpu.VMEM((SLICE,), jnp.float32),
            pltpu.VMEM_SHARED((N_PAD,), jnp.float32),
            pltpu.SemaphoreType.DMA,
            pltpu.SemaphoreType.DMA,
        ],
    )
    def counts_kernel(idx_hbm, aux_hbm, out0_hbm, out1_hbm, idx_v, ones_v,
                      zero_v, counts_sh, stage_sem, scat_sem):
        cid = lax.axis_index("c")
        sid = lax.axis_index("s")
        wid = cid * N_TILES + sid
        is_last = wid == NW - 1

        @pl.when(jnp.logical_not(is_last))
        def _():
            pltpu.async_copy(idx_hbm.at[pl.ds(wid * base_rows, base_rows)],
                             idx_v, stage_sem)

        @pl.when(is_last)
        def _():
            pltpu.async_copy(
                idx_hbm.at[pl.ds((NW - 1) * base_rows, main_last)],
                idx_v.at[pl.ds(0, main_last)], stage_sem)
            pltpu.async_copy(aux_hbm,
                             idx_v.at[pl.ds(main_last, aux_rows)], stage_sem)

        for i in range(CHUNK // 16):
            ones_v[pl.ds(i * 16, 16)] = jnp.full((16,), 1.0, jnp.float32)
        for i in range(SLICE // 16):
            zero_v[pl.ds(i * 16, 16)] = jnp.zeros((16,), jnp.float32)

        pltpu.sync_copy(zero_v, counts_sh.at[pl.ds(sid * SLICE, SLICE)])
        pltpu.make_async_copy(
            idx_hbm.at[pl.ds(0, base_rows)], idx_v, stage_sem).wait()
        plsc.subcore_barrier()

        def body(g, carry):
            descs = [
                pltpu.async_copy(ones_v,
                                 counts_sh.at[idx_v.at[g * group + j]],
                                 scat_sem, add=True)
                for j in range(group)
            ]
            for d in descs:
                d.wait()
            return carry

        lax.fori_loop(0, base_rows // group, body, 0)

        plsc.subcore_barrier()
        @pl.when(cid == 0)
        def _():
            pltpu.sync_copy(counts_sh.at[pl.ds(sid * SLICE, SLICE)],
                            out0_hbm.at[pl.ds(sid * SLICE, SLICE)])

        @pl.when(cid == 1)
        def _():
            pltpu.sync_copy(counts_sh.at[pl.ds(sid * SLICE, SLICE)],
                            out1_hbm.at[pl.ds(sid * SLICE, SLICE)])

    return counts_kernel


ROWS_BLK = 5120


def _mask_mul_kernel(c0_ref, c1_ref, v_ref, out_ref):
    total = c0_ref[...] + c1_ref[...]
    m = (total > 0.0).astype(jnp.float32)
    m2 = jax.lax.broadcast_in_dim(m, (ROWS_BLK, D), (0,))
    out_ref[...] = v_ref[...] * m2


def kernel(q, k, v, self_indices, neighbor_indices):
    del q, k, neighbor_indices
    e = self_indices.shape[0]
    main_rows = e // CHUNK
    rows = -(-main_rows // (NW * 8)) * (NW * 8)
    pad_rows = rows - main_rows
    tail_rows = main_rows % 8
    aux_rows = pad_rows + tail_rows
    idx_flat = self_indices.astype(jnp.int32)
    idx2d = idx_flat.reshape(main_rows, CHUNK)
    pad = N_NODES + (jnp.arange(pad_rows * CHUNK, dtype=jnp.int32)
                     % (N_PAD - N_NODES))
    aux = jnp.concatenate(
        [idx_flat[(main_rows - tail_rows) * CHUNK:], pad]
    ).reshape(aux_rows, CHUNK)
    c0, c1 = _make_counts_kernel(main_rows - tail_rows, aux_rows)(idx2d, aux)
    out = pl.pallas_call(
        _mask_mul_kernel,
        grid=(-(-N_NODES // ROWS_BLK),),
        in_specs=[
            pl.BlockSpec((ROWS_BLK,), lambda i: (i,)),
            pl.BlockSpec((ROWS_BLK,), lambda i: (i,)),
            pl.BlockSpec((ROWS_BLK, D), lambda i: (i, 0)),
        ],
        out_specs=pl.BlockSpec((ROWS_BLK, D), lambda i: (i, 0)),
        out_shape=jax.ShapeDtypeStruct((N_NODES, D), jnp.float32),
    )(c0, c1, v)
    return out

# --- scband reference (transcript-rebuilt; emitter-appended) ---
"""Pipeline reference for scband-simple-attention-36146444763805 (READ-ONLY COPY).

The authoritative reference and input builder live on the scoring server;
editing this copy changes nothing except your own understanding.
"""

import jax, jax.numpy as jnp
import numpy as np
import math

N_NODES = 10000
N_EDGES = 320000
D = 128


def setup_inputs(seed: int = 0) -> dict:
    key = jax.random.key(seed)
    k1, k2, k3, k4, k5 = jax.random.split(key, 5)
    q = jax.random.normal(k1, (N_NODES, D), dtype=jnp.float32)
    k = jax.random.normal(k2, (N_NODES, D), dtype=jnp.float32)
    v = jax.random.normal(k3, (N_NODES, D), dtype=jnp.float32)
    self_indices = jax.random.randint(k4, (N_EDGES,), 0, N_NODES, dtype=jnp.int64 if jax.config.jax_enable_x64 else jnp.int32)
    neighbor_indices = jax.random.randint(k5, (N_EDGES,), 0, N_NODES, dtype=jnp.int64 if jax.config.jax_enable_x64 else jnp.int32)
    return {"q": q, "k": k, "v": v, "self_indices": self_indices, "neighbor_indices": neighbor_indices}


def _segment_softmax(src, index, num_segments):
    # Faithful to the torch module's default (num_stab=False) path:
    #   src = src.exp(); denom = scatter_add(src, index); out = src / denom[index]
    e = jnp.exp(src)
    denom = jax.ops.segment_sum(e, index, num_segments=num_segments)
    return e / jnp.take(denom, index, axis=0)


def reference(q, k, v, self_indices, neighbor_indices):
    bs = q.shape[0]
    k_dim = k.shape[1]
    # scores per edge: dot(q[self], k[neighbor]) / sqrt(k_dim)  -> [E, 1]
    q_e = jnp.take(q, self_indices, axis=0)
    k_e = jnp.take(k, neighbor_indices, axis=0)
    scores = jnp.sum(q_e * k_e, axis=-1, keepdims=True) / math.sqrt(k_dim)
    attn = _segment_softmax(scores, self_indices, bs)
    # NOTE: original module gathers v by self_indices (faithful reproduction)
    v_e = jnp.take(v, self_indices, axis=0)
    out = attn * v_e
    out = jax.ops.segment_sum(out, self_indices, num_segments=bs)
    return out.reshape(bs, v.shape[1])


if False:  # reference __main__ guard neutralized (emitter)
    inp = setup_inputs()
    o = reference(**inp)
    print(o.shape)

if __name__ == "__main__":
    import jax
    _d = setup_inputs()
    print(jax.jit(kernel)(*tuple(_d.values())))

</pallas_src>

<mosaic_0001>
#map = affine_map<(d0, d1) -> (0, 0)>
#map1 = affine_map<(d0, d1) -> (0)>
module attributes {stable_mosaic.version = 14 : i64} {
  func.func @counts_kernel(%arg0: i32, %arg1: i32, %arg2: memref<2500x128xi32, #tpu.memory_space<hbm>>, %arg3: memref<64x128xi32, #tpu.memory_space<hbm>>, %arg4: memref<10240xf32, #tpu.memory_space<hbm>>, %arg5: memref<10240xf32, #tpu.memory_space<hbm>>, %arg6: memref<80x128xi32, #tpu.memory_space<vmem>>, %arg7: memref<128xf32, #tpu.memory_space<vmem>>, %arg8: memref<640xf32, #tpu.memory_space<vmem>>, %arg9: memref<10240xf32, #tpu.memory_space<vmem_shared>>, %arg10: memref<!tpu.dma_semaphore, #tpu.memory_space<semaphore_mem>>, %arg11: memref<!tpu.dma_semaphore, #tpu.memory_space<semaphore_mem>>) attributes {dimension_semantics = [#tpu.dimension_semantics<core_parallel>, #tpu.dimension_semantics<subcore_parallel>], iteration_bounds = array<i64: 2, 16>, scalar_prefetch = 0 : i64, scratch_operands = 6 : i64, tpu.core_type = #tpu.core_type<sc_vector_subcore>, window_params = [{transform_indices = #map}, {transform_indices = #map}, {transform_indices = #map1}, {transform_indices = #map1}]} {
    %mul3A = arith.constant 16 : i32
    %mul3A_0 = arith.muli %arg0, %mul3A : i32
    %add3A = arith.addi %mul3A_0, %arg1 : i32
    %eq3A = arith.constant 31 : i32
    %eq3A_1 = arith.cmpi eq, %add3A, %eq3A : i32
    %not3A = arith.constant true
    %not3A_2 = arith.xori %eq3A_1, %not3A : i1
    %convert_element_type3A = arith.extui %not3A_2 : i1 to i32
    %cond3A = arith.constant 0 : i32
    %cond3A_3 = arith.cmpi ne, %convert_element_type3A, %cond3A : i32
    scf.if %cond3A_3 {
      %mul3A_316 = arith.constant 80 : i32
      %mul3A_317 = arith.muli %add3A, %mul3A_316 : i32
      %dma_start3A = arith.constant 0 : i32
      %dma_start3A_318 = tpu.memref_slice %arg2[%mul3A_317, %dma_start3A] : memref<2500x128xi32, #tpu.memory_space<hbm>> -> memref<80x128xi32, #tpu.memory_space<hbm>>
      %dma_start3A_319 = arith.constant 0 : i32
      %dma_start3A_320 = tpu.memref_slice %arg2[%mul3A_317, %dma_start3A_319] : memref<2500x128xi32, #tpu.memory_space<hbm>> -> memref<80x128xi32, #tpu.memory_space<hbm>>
      tpu.enqueue_dma source(%dma_start3A_320 : memref<80x128xi32, #tpu.memory_space<hbm>>) target(%arg6 : memref<80x128xi32, #tpu.memory_space<vmem>>) target_semaphore(%arg10 : memref<!tpu.dma_semaphore, #tpu.memory_space<semaphore_mem>>)
    } else {
    }
    %convert_element_type3A_4 = arith.extui %eq3A_1 : i1 to i32
    %cond3A_5 = arith.constant 0 : i32
    %cond3A_6 = arith.cmpi ne, %convert_element_type3A_4, %cond3A_5 : i32
    scf.if %cond3A_6 {
      %dma_start3A = arith.constant 0 : i32
      %dma_start3A_316 = arith.constant 0 : i32
      %dma_start3A_317 = tpu.memref_slice %arg6[%dma_start3A, %dma_start3A_316] : memref<80x128xi32, #tpu.memory_space<vmem>> -> memref<16x128xi32, #tpu.memory_space<vmem>>
      %dma_start3A_318 = arith.constant 2480 : i32
      %dma_start3A_319 = arith.constant 0 : i32
      %dma_start3A_320 = tpu.memref_slice %arg2[%dma_start3A_318, %dma_start3A_319] : memref<2500x128xi32, #tpu.memory_space<hbm>> -> memref<16x128xi32, #tpu.memory_space<hbm>>
      %dma_start3A_321 = arith.constant 0 : i32
      %dma_start3A_322 = arith.constant 0 : i32
      %dma_start3A_323 = tpu.memref_slice %arg6[%dma_start3A_321, %dma_start3A_322] : memref<80x128xi32, #tpu.memory_space<vmem>> -> memref<16x128xi32, #tpu.memory_space<vmem>>
      %dma_start3A_324 = arith.constant 2480 : i32
      %dma_start3A_325 = arith.constant 0 : i32
      %dma_start3A_326 = tpu.memref_slice %arg2[%dma_start3A_324, %dma_start3A_325] : memref<2500x128xi32, #tpu.memory_space<hbm>> -> memref<16x128xi32, #tpu.memory_space<hbm>>
      tpu.enqueue_dma source(%dma_start3A_326 : memref<16x128xi32, #tpu.memory_space<hbm>>) target(%dma_start3A_323 : memref<16x128xi32, #tpu.memory_space<vmem>>) target_semaphore(%arg10 : memref<!tpu.dma_semaphore, #tpu.memory_space<semaphore_mem>>)
      %dma_start3A_327 = arith.constant 16 : i32
      %dma_start3A_328 = arith.constant 0 : i32
      %dma_start3A_329 = tpu.memref_slice %arg6[%dma_start3A_327, %dma_start3A_328] : memref<80x128xi32, #tpu.memory_space<vmem>> -> memref<64x128xi32, #tpu.memory_space<vmem>>
      %dma_start3A_330 = arith.constant 16 : i32
      %dma_start3A_331 = arith.constant 0 : i32
      %dma_start3A_332 = tpu.memref_slice %arg6[%dma_start3A_330, %dma_start3A_331] : memref<80x128xi32, #tpu.memory_space<vmem>> -> memref<64x128xi32, #tpu.memory_space<vmem>>
      tpu.enqueue_dma source(%arg3 : memref<64x128xi32, #tpu.memory_space<hbm>>) target(%dma_start3A_332 : memref<64x128xi32, #tpu.memory_space<vmem>>) target_semaphore(%arg10 : memref<!tpu.dma_semaphore, #tpu.memory_space<semaphore_mem>>)
    } else {
    }
    %broadcast_in_dim3A = arith.constant 1.000000e+00 : f32
    %broadcast_in_dim3A_7 = vector.broadcast %broadcast_in_dim3A : f32 to vector<16xf32>
    %swap3A = arith.constant 0 : index
    %swap3A_8 = tpu.vector_load %arg7[%swap3A] {strides = array<i32>} : memref<128xf32, #tpu.memory_space<vmem>>, vector<16xf32>,
    %swap3A_9 = vector.shape_cast %swap3A_8 : vector<16xf32> to vector<16xf32>
    %swap3A_10 = vector.shape_cast %broadcast_in_dim3A_7 : vector<16xf32> to vector<16xf32>
    tpu.vector_store %arg7[%swap3A], %swap3A_10 {strides = array<i32>} : memref<128xf32, #tpu.memory_space<vmem>>, vector<16xf32>,
    %broadcast_in_dim3A_11 = arith.constant 1.000000e+00 : f32
    %broadcast_in_dim3A_12 = vector.broadcast %broadcast_in_dim3A_11 : f32 to vector<16xf32>
    %swap3A_13 = arith.constant 16 : index
    %swap3A_14 = tpu.vector_load %arg7[%swap3A_13] {strides = array<i32>} : memref<128xf32, #tpu.memory_space<vmem>>, vector<16xf32>,
    %swap3A_15 = vector.shape_cast %swap3A_14 : vector<16xf32> to vector<16xf32>
    %swap3A_16 = vector.shape_cast %broadcast_in_dim3A_12 : vector<16xf32> to vector<16xf32>
    tpu.vector_store %arg7[%swap3A_13], %swap3A_16 {strides = array<i32>} : memref<128xf32, #tpu.memory_space<vmem>>, vector<16xf32>,
    %broadcast_in_dim3A_17 = arith.constant 1.000000e+00 : f32
    %broadcast_in_dim3A_18 = vector.broadcast %broadcast_in_dim3A_17 : f32 to vector<16xf32>
    %swap3A_19 = arith.constant 32 : index
    %swap3A_20 = tpu.vector_load %arg7[%swap3A_19] {strides = array<i32>} : memref<128xf32, #tpu.memory_space<vmem>>, vector<16xf32>,
    %swap3A_21 = vector.shape_cast %swap3A_20 : vector<16xf32> to vector<16xf32>
    %swap3A_22 = vector.shape_cast %broadcast_in_dim3A_18 : vector<16xf32> to vector<16xf32>
    tpu.vector_store %arg7[%swap3A_19], %swap3A_22 {strides = array<i32>} : memref<128xf32, #tpu.memory_space<vmem>>, vector<16xf32>,
    %broadcast_in_dim3A_23 = arith.constant 1.000000e+00 : f32
    %broadcast_in_dim3A_24 = vector.broadcast %broadcast_in_dim3A_23 : f32 to vector<16xf32>
    %swap3A_25 = arith.constant 48 : index
    %swap3A_26 = tpu.vector_load %arg7[%swap3A_25] {strides = array<i32>} : memref<128xf32, #tpu.memory_space<vmem>>, vector<16xf32>,
    %swap3A_27 = vector.shape_cast %swap3A_26 : vector<16xf32> to vector<16xf32>
    %swap3A_28 = vector.shape_cast %broadcast_in_dim3A_24 : vector<16xf32> to vector<16xf32>
    tpu.vector_store %arg7[%swap3A_25], %swap3A_28 {strides = array<i32>} : memref<128xf32, #tpu.memory_space<vmem>>, vector<16xf32>,
    %broadcast_in_dim3A_29 = arith.constant 1.000000e+00 : f32
    %broadcast_in_dim3A_30 = vector.broadcast %broadcast_in_dim3A_29 : f32 to vector<16xf32>
    %swap3A_31 = arith.constant 64 : index
    %swap3A_32 = tpu.vector_load %arg7[%swap3A_31] {strides = array<i32>} : memref<128xf32, #tpu.memory_space<vmem>>, vector<16xf32>,
    %swap3A_33 = vector.shape_cast %swap3A_32 : vector<16xf32> to vector<16xf32>
    %swap3A_34 = vector.shape_cast %broadcast_in_dim3A_30 : vector<16xf32> to vector<16xf32>
    tpu.vector_store %arg7[%swap3A_31], %swap3A_34 {strides = array<i32>} : memref<128xf32, #tpu.memory_space<vmem>>, vector<16xf32>,
    %broadcast_in_dim3A_35 = arith.constant 1.000000e+00 : f32
    %broadcast_in_dim3A_36 = vector.broadcast %broadcast_in_dim3A_35 : f32 to vector<16xf32>
    %swap3A_37 = arith.constant 80 : index
    %swap3A_38 = tpu.vector_load %arg7[%swap3A_37] {strides = array<i32>} : memref<128xf32, #tpu.memory_space<vmem>>, vector<16xf32>,
    %swap3A_39 = vector.shape_cast %swap3A_38 : vector<16xf32> to vector<16xf32>
    %swap3A_40 = vector.shape_cast %broadcast_in_dim3A_36 : vector<16xf32> to vector<16xf32>
    tpu.vector_store %arg7[%swap3A_37], %swap3A_40 {strides = array<i32>} : memref<128xf32, #tpu.memory_space<vmem>>, vector<16xf32>,
    %broadcast_in_dim3A_41 = arith.constant 1.000000e+00 : f32
    %broadcast_in_dim3A_42 = vector.broadcast %broadcast_in_dim3A_41 : f32 to vector<16xf32>
    %swap3A_43 = arith.constant 96 : index
    %swap3A_44 = tpu.vector_load %arg7[%swap3A_43] {strides = array<i32>} : memref<128xf32, #tpu.memory_space<vmem>>, vector<16xf32>,
    %swap3A_45 = vector.shape_cast %swap3A_44 : vector<16xf32> to vector<16xf32>
    %swap3A_46 = vector.shape_cast %broadcast_in_dim3A_42 : vector<16xf32> to vector<16xf32>
    tpu.vector_store %arg7[%swap3A_43], %swap3A_46 {strides = array<i32>} : memref<128xf32, #tpu.memory_space<vmem>>, vector<16xf32>,
    %broadcast_in_dim3A_47 = arith.constant 1.000000e+00 : f32
    %broadcast_in_dim3A_48 = vector.broadcast %broadcast_in_dim3A_47 : f32 to vector<16xf32>
    %swap3A_49 = arith.constant 112 : index
    %swap3A_50 = tpu.vector_load %arg7[%swap3A_49] {strides = array<i32>} : memref<128xf32, #tpu.memory_space<vmem>>, vector<16xf32>,
    %swap3A_51 = vector.shape_cast %swap3A_50 : vector<16xf32> to vector<16xf32>
    %swap3A_52 = vector.shape_cast %broadcast_in_dim3A_48 : vector<16xf32> to vector<16xf32>
    tpu.vector_store %arg7[%swap3A_49], %swap3A_52 {strides = array<i32>} : memref<128xf32, #tpu.memory_space<vmem>>, vector<16xf32>,
    %broadcast_in_dim3A_53 = arith.constant 0.000000e+00 : f32
    %broadcast_in_dim3A_54 = vector.broadcast %broadcast_in_dim3A_53 : f32 to vector<16xf32>
    %swap3A_55 = arith.constant 0 : index
    %swap3A_56 = tpu.vector_load %arg8[%swap3A_55] {strides = array<i32>} : memref<640xf32, #tpu.memory_space<vmem>>, vector<16xf32>,
    %swap3A_57 = vector.shape_cast %swap3A_56 : vector<16xf32> to vector<16xf32>
    %swap3A_58 = vector.shape_cast %broadcast_in_dim3A_54 : vector<16xf32> to vector<16xf32>
    tpu.vector_store %arg8[%swap3A_55], %swap3A_58 {strides = array<i32>} : memref<640xf32, #tpu.memory_space<vmem>>, vector<16xf32>,
    %broadcast_in_dim3A_59 = arith.constant 0.000000e+00 : f32
    %broadcast_in_dim3A_60 = vector.broadcast %broadcast_in_dim3A_59 : f32 to vector<16xf32>
    %swap3A_61 = arith.constant 16 : index
    %swap3A_62 = tpu.vector_load %arg8[%swap3A_61] {strides = array<i32>} : memref<640xf32, #tpu.memory_space<vmem>>, vector<16xf32>,
    %swap3A_63 = vector.shape_cast %swap3A_62 : vector<16xf32> to vector<16xf32>
    %swap3A_64 = vector.shape_cast %broadcast_in_dim3A_60 : vector<16xf32> to vector<16xf32>
    tpu.vector_store %arg8[%swap3A_61], %swap3A_64 {strides = array<i32>} : memref<640xf32, #tpu.memory_space<vmem>>, vector<16xf32>,
    %broadcast_in_dim3A_65 = arith.constant 0.000000e+00 : f32
    %broadcast_in_dim3A_66 = vector.broadcast %broadcast_in_dim3A_65 : f32 to vector<16xf32>
    %swap3A_67 = arith.constant 32 : index
    %swap3A_68 = tpu.vector_load %arg8[%swap3A_67] {strides = array<i32>} : memref<640xf32, #tpu.memory_space<vmem>>, vector<16xf32>,
    %swap3A_69 = vector.shape_cast %swap3A_68 : vector<16xf32> to vector<16xf32>
    %swap3A_70 = vector.shape_cast %broadcast_in_dim3A_66 : vector<16xf32> to vector<16xf32>
    tpu.vector_store %arg8[%swap3A_67], %swap3A_70 {strides = array<i32>} : memref<640xf32, #tpu.memory_space<vmem>>, vector<16xf32>,
    %broadcast_in_dim3A_71 = arith.constant 0.000000e+00 : f32
    %broadcast_in_dim3A_72 = vector.broadcast %broadcast_in_dim3A_71 : f32 to vector<16xf32>
    %swap3A_73 = arith.constant 48 : index
    %swap3A_74 = tpu.vector_load %arg8[%swap3A_73] {strides = array<i32>} : memref<640xf32, #tpu.memory_space<vmem>>, vector<16xf32>,
    %swap3A_75 = vector.shape_cast %swap3A_74 : vector<16xf32> to vector<16xf32>
    %swap3A_76 = vector.shape_cast %broadcast_in_dim3A_72 : vector<16xf32> to vector<16xf32>
    tpu.vector_store %arg8[%swap3A_73], %swap3A_76 {strides = array<i32>} : memref<640xf32, #tpu.memory_space<vmem>>, vector<16xf32>,
    %broadcast_in_dim3A_77 = arith.constant 0.000000e+00 : f32
    %broadcast_in_dim3A_78 = vector.broadcast %broadcast_in_dim3A_77 : f32 to vector<16xf32>
    %swap3A_79 = arith.constant 64 : index
    %swap3A_80 = tpu.vector_load %arg8[%swap3A_79] {strides = array<i32>} : memref<640xf32, #tpu.memory_space<vmem>>, vector<16xf32>,
    %swap3A_81 = vector.shape_cast %swap3A_80 : vector<16xf32> to vector<16xf32>
    %swap3A_82 = vector.shape_cast %broadcast_in_dim3A_78 : vector<16xf32> to vector<16xf32>
    tpu.vector_store %arg8[%swap3A_79], %swap3A_82 {strides = array<i32>} : memref<640xf32, #tpu.memory_space<vmem>>, vector<16xf32>,
    %broadcast_in_dim3A_83 = arith.constant 0.000000e+00 : f32
    %broadcast_in_dim3A_84 = vector.broadcast %broadcast_in_dim3A_83 : f32 to vector<16xf32>
    %swap3A_85 = arith.constant 80 : index
    %swap3A_86 = tpu.vector_load %arg8[%swap3A_85] {strides = array<i32>} : memref<640xf32, #tpu.memory_space<vmem>>, vector<16xf32>,
    %swap3A_87 = vector.shape_cast %swap3A_86 : vector<16xf32> to vector<16xf32>
    %swap3A_88 = vector.shape_cast %broadcast_in_dim3A_84 : vector<16xf32> to vector<16xf32>
    tpu.vector_store %arg8[%swap3A_85], %swap3A_88 {strides = array<i32>} : memref<640xf32, #tpu.memory_space<vmem>>, vector<16xf32>,
    %broadcast_in_dim3A_89 = arith.constant 0.000000e+00 : f32
    %broadcast_in_dim3A_90 = vector.broadcast %broadcast_in_dim3A_89 : f32 to vector<16xf32>
    %swap3A_91 = arith.constant 96 : index
    %swap3A_92 = tpu.vector_load %arg8[%swap3A_91] {strides = array<i32>} : memref<640xf32, #tpu.memory_space<vmem>>, vector<16xf32>,
    %swap3A_93 = vector.shape_cast %swap3A_92 : vector<16xf32> to vector<16xf32>
    %swap3A_94 = vector.shape_cast %broadcast_in_dim3A_90 : vector<16xf32> to vector<16xf32>
    tpu.vector_store %arg8[%swap3A_91], %swap3A_94 {strides = array<i32>} : memref<640xf32, #tpu.memory_space<vmem>>, vector<16xf32>,
    %broadcast_in_dim3A_95 = arith.constant 0.000000e+00 : f32
    %broadcast_in_dim3A_96 = vector.broadcast %broadcast_in_dim3A_95 : f32 to vector<16xf32>
    %swap3A_97 = arith.constant 112 : index
    %swap3A_98 = tpu.vector_load %arg8[%swap3A_97] {strides = array<i32>} : memref<640xf32, #tpu.memory_space<vmem>>, vector<16xf32>,
    %swap3A_99 = vector.shape_cast %swap3A_98 : vector<16xf32> to vector<16xf32>
    %swap3A_100 = vector.shape_cast %broadcast_in_dim3A_96 : vector<16xf32> to vector<16xf32>
    tpu.vector_store %arg8[%swap3A_97], %swap3A_100 {strides = array<i32>} : memref<640xf32, #tpu.memory_space<vmem>>, vector<16xf32>,
    %broadcast_in_dim3A_101 = arith.constant 0.000000e+00 : f32
    %broadcast_in_dim3A_102 = vector.broadcast %broadcast_in_dim3A_101 : f32 to vector<16xf32>
    %swap3A_103 = arith.constant 128 : index
    %swap3A_104 = tpu.vector_load %arg8[%swap3A_103] {strides = array<i32>} : memref<640xf32, #tpu.memory_space<vmem>>, vector<16xf32>,
    %swap3A_105 = vector.shape_cast %swap3A_104 : vector<16xf32> to vector<16xf32>
    %swap3A_106 = vector.shape_cast %broadcast_in_dim3A_102 : vector<16xf32> to vector<16xf32>
    tpu.vector_store %arg8[%swap3A_103], %swap3A_106 {strides = array<i32>} : memref<640xf32, #tpu.memory_space<vmem>>, vector<16xf32>,
    %broadcast_in_dim3A_107 = arith.constant 0.000000e+00 : f32
    %broadcast_in_dim3A_108 = vector.broadcast %broadcast_in_dim3A_107 : f32 to vector<16xf32>
    %swap3A_109 = arith.constant 144 : index
    %swap3A_110 = tpu.vector_load %arg8[%swap3A_109] {strides = array<i32>} : memref<640xf32, #tpu.memory_space<vmem>>, vector<16xf32>,
    %swap3A_111 = vector.shape_cast %swap3A_110 : vector<16xf32> to vector<16xf32>
    %swap3A_112 = vector.shape_cast %broadcast_in_dim3A_108 : vector<16xf32> to vector<16xf32>
    tpu.vector_store %arg8[%swap3A_109], %swap3A_112 {strides = array<i32>} : memref<640xf32, #tpu.memory_space<vmem>>, vector<16xf32>,
    %broadcast_in_dim3A_113 = arith.constant 0.000000e+00 : f32
    %broadcast_in_dim3A_114 = vector.broadcast %broadcast_in_dim3A_113 : f32 to vector<16xf32>
    %swap3A_115 = arith.constant 160 : index
    %swap3A_116 = tpu.vector_load %arg8[%swap3A_115] {strides = array<i32>} : memref<640xf32, #tpu.memory_space<vmem>>, vector<16xf32>,
    %swap3A_117 = vector.shape_cast %swap3A_116 : vector<16xf32> to vector<16xf32>
    %swap3A_118 = vector.shape_cast %broadcast_in_dim3A_114 : vector<16xf32> to vector<16xf32>
    tpu.vector_store %arg8[%swap3A_115], %swap3A_118 {strides = array<i32>} : memref<640xf32, #tpu.memory_space<vmem>>, vector<16xf32>,
    %broadcast_in_dim3A_119 = arith.constant 0.000000e+00 : f32
    %broadcast_in_dim3A_120 = vector.broadcast %broadcast_in_dim3A_119 : f32 to vector<16xf32>
    %swap3A_121 = arith.constant 176 : index
    %swap3A_122 = tpu.vector_load %arg8[%swap3A_121] {strides = array<i32>} : memref<640xf32, #tpu.memory_space<vmem>>, vector<16xf32>,
    %swap3A_123 = vector.shape_cast %swap3A_122 : vector<16xf32> to vector<16xf32>
    %swap3A_124 = vector.shape_cast %broadcast_in_dim3A_120 : vector<16xf32> to vector<16xf32>
    tpu.vector_store %arg8[%swap3A_121], %swap3A_124 {strides = array<i32>} : memref<640xf32, #tpu.memory_space<vmem>>, vector<16xf32>,
    %broadcast_in_dim3A_125 = arith.constant 0.000000e+00 : f32
    %broadcast_in_dim3A_126 = vector.broadcast %broadcast_in_dim3A_125 : f32 to vector<16xf32>
    %swap3A_127 = arith.constant 192 : index
    %swap3A_128 = tpu.vector_load %arg8[%swap3A_127] {strides = array<i32>} : memref<640xf32, #tpu.memory_space<vmem>>, vector<16xf32>,
    %swap3A_129 = vector.shape_cast %swap3A_128 : vector<16xf32> to vector<16xf32>
    %swap3A_130 = vector.shape_cast %broadcast_in_dim3A_126 : vector<16xf32> to vector<16xf32>
    tpu.vector_store %arg8[%swap3A_127], %swap3A_130 {strides = array<i32>} : memref<640xf32, #tpu.memory_space<vmem>>, vector<16xf32>,
    %broadcast_in_dim3A_131 = arith.constant 0.000000e+00 : f32
    %broadcast_in_dim3A_132 = vector.broadcast %broadcast_in_dim3A_131 : f32 to vector<16xf32>
    %swap3A_133 = arith.constant 208 : index
    %swap3A_134 = tpu.vector_load %arg8[%swap3A_133] {strides = array<i32>} : memref<640xf32, #tpu.memory_space<vmem>>, vector<16xf32>,
    %swap3A_135 = vector.shape_cast %swap3A_134 : vector<16xf32> to vector<16xf32>
    %swap3A_136 = vector.shape_cast %broadcast_in_dim3A_132 : vector<16xf32> to vector<16xf32>
    tpu.vector_store %arg8[%swap3A_133], %swap3A_136 {strides = array<i32>} : memref<640xf32, #tpu.memory_space<vmem>>, vector<16xf32>,
    %broadcast_in_dim3A_137 = arith.constant 0.000000e+00 : f32
    %broadcast_in_dim3A_138 = vector.broadcast %broadcast_in_dim3A_137 : f32 to vector<16xf32>
    %swap3A_139 = arith.constant 224 : index
    %swap3A_140 = tpu.vector_load %arg8[%swap3A_139] {strides = array<i32>} : memref<640xf32, #tpu.memory_space<vmem>>, vector<16xf32>,
    %swap3A_141 = vector.shape_cast %swap3A_140 : vector<16xf32> to vector<16xf32>
    %swap3A_142 = vector.shape_cast %broadcast_in_dim3A_138 : vector<16xf32> to vector<16xf32>
    tpu.vector_store %arg8[%swap3A_139], %swap3A_142 {strides = array<i32>} : memref<640xf32, #tpu.memory_space<vmem>>, vector<16xf32>,
    %broadcast_in_dim3A_143 = arith.constant 0.000000e+00 : f32
    %broadcast_in_dim3A_144 = vector.broadcast %broadcast_in_dim3A_143 : f32 to vector<16xf32>
    %swap3A_145 = arith.constant 240 : index
    %swap3A_146 = tpu.vector_load %arg8[%swap3A_145] {strides = array<i32>} : memref<640xf32, #tpu.memory_space<vmem>>, vector<16xf32>,
    %swap3A_147 = vector.shape_cast %swap3A_146 : vector<16xf32> to vector<16xf32>
    %swap3A_148 = vector.shape_cast %broadcast_in_dim3A_144 : vector<16xf32> to vector<16xf32>
    tpu.vector_store %arg8[%swap3A_145], %swap3A_148 {strides = array<i32>} : memref<640xf32, #tpu.memory_space<vmem>>, vector<16xf32>,
    %broadcast_in_dim3A_149 = arith.constant 0.000000e+00 : f32
    %broadcast_in_dim3A_150 = vector.broadcast %broadcast_in_dim3A_149 : f32 to vector<16xf32>
    %swap3A_151 = arith.constant 256 : index
    %swap3A_152 = tpu.vector_load %arg8[%swap3A_151] {strides = array<i32>} : memref<640xf32, #tpu.memory_space<vmem>>, vector<16xf32>,
    %swap3A_153 = vector.shape_cast %swap3A_152 : vector<16xf32> to vector<16xf32>
    %swap3A_154 = vector.shape_cast %broadcast_in_dim3A_150 : vector<16xf32> to vector<16xf32>
    tpu.vector_store %arg8[%swap3A_151], %swap3A_154 {strides = array<i32>} : memref<640xf32, #tpu.memory_space<vmem>>, vector<16xf32>,
    %broadcast_in_dim3A_155 = arith.constant 0.000000e+00 : f32
    %broadcast_in_dim3A_156 = vector.broadcast %broadcast_in_dim3A_155 : f32 to vector<16xf32>
    %swap3A_157 = arith.constant 272 : index
    %swap3A_158 = tpu.vector_load %arg8[%swap3A_157] {strides = array<i32>} : memref<640xf32, #tpu.memory_space<vmem>>, vector<16xf32>,
    %swap3A_159 = vector.shape_cast %swap3A_158 : vector<16xf32> to vector<16xf32>
    %swap3A_160 = vector.shape_cast %broadcast_in_dim3A_156 : vector<16xf32> to vector<16xf32>
    tpu.vector_store %arg8[%swap3A_157], %swap3A_160 {strides = array<i32>} : memref<640xf32, #tpu.memory_space<vmem>>, vector<16xf32>,
    %broadcast_in_dim3A_161 = arith.constant 0.000000e+00 : f32
    %broadcast_in_dim3A_162 = vector.broadcast %broadcast_in_dim3A_161 : f32 to vector<16xf32>
    %swap3A_163 = arith.constant 288 : index
    %swap3A_164 = tpu.vector_load %arg8[%swap3A_163] {strides = array<i32>} : memref<640xf32, #tpu.memory_space<vmem>>, vector<16xf32>,
    %swap3A_165 = vector.shape_cast %swap3A_164 : vector<16xf32> to vector<16xf32>
    %swap3A_166 = vector.shape_cast %broadcast_in_dim3A_162 : vector<16xf32> to vector<16xf32>
    tpu.vector_store %arg8[%swap3A_163], %swap3A_166 {strides = array<i32>} : memref<640xf32, #tpu.memory_space<vmem>>, vector<16xf32>,
    %broadcast_in_dim3A_167 = arith.constant 0.000000e+00 : f32
    %broadcast_in_dim3A_168 = vector.broadcast %broadcast_in_dim3A_167 : f32 to vector<16xf32>
    %swap3A_169 = arith.constant 304 : index
    %swap3A_170 = tpu.vector_load %arg8[%swap3A_169] {strides = array<i32>} : memref<640xf32, #tpu.memory_space<vmem>>, vector<16xf32>,
    %swap3A_171 = vector.shape_cast %swap3A_170 : vector<16xf32> to vector<16xf32>
    %swap3A_172 = vector.shape_cast %broadcast_in_dim3A_168 : vector<16xf32> to vector<16xf32>
    tpu.vector_store %arg8[%swap3A_169], %swap3A_172 {strides = array<i32>} : memref<640xf32, #tpu.memory_space<vmem>>, vector<16xf32>,
    %broadcast_in_dim3A_173 = arith.constant 0.000000e+00 : f32
    %broadcast_in_dim3A_174 = vector.broadcast %broadcast_in_dim3A_173 : f32 to vector<16xf32>
    %swap3A_175 = arith.constant 320 : index
    %swap3A_176 = tpu.vector_load %arg8[%swap3A_175] {strides = array<i32>} : memref<640xf32, #tpu.memory_space<vmem>>, vector<16xf32>,
    %swap3A_177 = vector.shape_cast %swap3A_176 : vector<16xf32> to vector<16xf32>
    %swap3A_178 = vector.shape_cast %broadcast_in_dim3A_174 : vector<16xf32> to vector<16xf32>
    tpu.vector_store %arg8[%swap3A_175], %swap3A_178 {strides = array<i32>} : memref<640xf32, #tpu.memory_space<vmem>>, vector<16xf32>,
    %broadcast_in_dim3A_179 = arith.constant 0.000000e+00 : f32
    %broadcast_in_dim3A_180 = vector.broadcast %broadcast_in_dim3A_179 : f32 to vector<16xf32>
    %swap3A_181 = arith.constant 336 : index
    %swap3A_182 = tpu.vector_load %arg8[%swap3A_181] {strides = array<i32>} : memref<640xf32, #tpu.memory_space<vmem>>, vector<16xf32>,
    %swap3A_183 = vector.shape_cast %swap3A_182 : vector<16xf32> to vector<16xf32>
    %swap3A_184 = vector.shape_cast %broadcast_in_dim3A_180 : vector<16xf32> to vector<16xf32>
    tpu.vector_store %arg8[%swap3A_181], %swap3A_184 {strides = array<i32>} : memref<640xf32, #tpu.memory_space<vmem>>, vector<16xf32>,
    %broadcast_in_dim3A_185 = arith.constant 0.000000e+00 : f32
    %broadcast_in_dim3A_186 = vector.broadcast %broadcast_in_dim3A_185 : f32 to vector<16xf32>
    %swap3A_187 = arith.constant 352 : index
    %swap3A_188 = tpu.vector_load %arg8[%swap3A_187] {strides = array<i32>} : memref<640xf32, #tpu.memory_space<vmem>>, vector<16xf32>,
    %swap3A_189 = vector.shape_cast %swap3A_188 : vector<16xf32> to vector<16xf32>
    %swap3A_190 = vector.shape_cast %broadcast_in_dim3A_186 : vector<16xf32> to vector<16xf32>
    tpu.vector_store %arg8[%swap3A_187], %swap3A_190 {strides = array<i32>} : memref<640xf32, #tpu.memory_space<vmem>>, vector<16xf32>,
    %broadcast_in_dim3A_191 = arith.constant 0.000000e+00 : f32
    %broadcast_in_dim3A_192 = vector.broadcast %broadcast_in_dim3A_191 : f32 to vector<16xf32>
    %swap3A_193 = arith.constant 368 : index
    %swap3A_194 = tpu.vector_load %arg8[%swap3A_193] {strides = array<i32>} : memref<640xf32, #tpu.memory_space<vmem>>, vector<16xf32>,
    %swap3A_195 = vector.shape_cast %swap3A_194 : vector<16xf32> to vector<16xf32>
    %swap3A_196 = vector.shape_cast %broadcast_in_dim3A_192 : vector<16xf32> to vector<16xf32>
    tpu.vector_store %arg8[%swap3A_193], %swap3A_196 {strides = array<i32>} : memref<640xf32, #tpu.memory_space<vmem>>, vector<16xf32>,
    %broadcast_in_dim3A_197 = arith.constant 0.000000e+00 : f32
    %broadcast_in_dim3A_198 = vector.broadcast %broadcast_in_dim3A_197 : f32 to vector<16xf32>
    %swap3A_199 = arith.constant 384 : index
    %swap3A_200 = tpu.vector_load %arg8[%swap3A_199] {strides = array<i32>} : memref<640xf32, #tpu.memory_space<vmem>>, vector<16xf32>,
    %swap3A_201 = vector.shape_cast %swap3A_200 : vector<16xf32> to vector<16xf32>
    %swap3A_202 = vector.shape_cast %broadcast_in_dim3A_198 : vector<16xf32> to vector<16xf32>
    tpu.vector_store %arg8[%swap3A_199], %swap3A_202 {strides = array<i32>} : memref<640xf32, #tpu.memory_space<vmem>>, vector<16xf32>,
    %broadcast_in_dim3A_203 = arith.constant 0.000000e+00 : f32
    %broadcast_in_dim3A_204 = vector.broadcast %broadcast_in_dim3A_203 : f32 to vector<16xf32>
    %swap3A_205 = arith.constant 400 : index
    %swap3A_206 = tpu.vector_load %arg8[%swap3A_205] {strides = array<i32>} : memref<640xf32, #tpu.memory_space<vmem>>, vector<16xf32>,
    %swap3A_207 = vector.shape_cast %swap3A_206 : vector<16xf32> to vector<16xf32>
    %swap3A_208 = vector.shape_cast %broadcast_in_dim3A_204 : vector<16xf32> to vector<16xf32>
    tpu.vector_store %arg8[%swap3A_205], %swap3A_208 {strides = array<i32>} : memref<640xf32, #tpu.memory_space<vmem>>, vector<16xf32>,
    %broadcast_in_dim3A_209 = arith.constant 0.000000e+00 : f32
    %broadcast_in_dim3A_210 = vector.broadcast %broadcast_in_dim3A_209 : f32 to vector<16xf32>
    %swap3A_211 = arith.constant 416 : index
    %swap3A_212 = tpu.vector_load %arg8[%swap3A_211] {strides = array<i32>} : memref<640xf32, #tpu.memory_space<vmem>>, vector<16xf32>,
    %swap3A_213 = vector.shape_cast %swap3A_212 : vector<16xf32> to vector<16xf32>
    %swap3A_214 = vector.shape_cast %broadcast_in_dim3A_210 : vector<16xf32> to vector<16xf32>
    tpu.vector_store %arg8[%swap3A_211], %swap3A_214 {strides = array<i32>} : memref<640xf32, #tpu.memory_space<vmem>>, vector<16xf32>,
    %broadcast_in_dim3A_215 = arith.constant 0.000000e+00 : f32
    %broadcast_in_dim3A_216 = vector.broadcast %broadcast_in_dim3A_215 : f32 to vector<16xf32>
    %swap3A_217 = arith.constant 432 : index
    %swap3A_218 = tpu.vector_load %arg8[%swap3A_217] {strides = array<i32>} : memref<640xf32, #tpu.memory_space<vmem>>, vector<16xf32>,
    %swap3A_219 = vector.shape_cast %swap3A_218 : vector<16xf32> to vector<16xf32>
    %swap3A_220 = vector.shape_cast %broadcast_in_dim3A_216 : vector<16xf32> to vector<16xf32>
    tpu.vector_store %arg8[%swap3A_217], %swap3A_220 {strides = array<i32>} : memref<640xf32, #tpu.memory_space<vmem>>, vector<16xf32>,
    %broadcast_in_dim3A_221 = arith.constant 0.000000e+00 : f32
    %broadcast_in_dim3A_222 = vector.broadcast %broadcast_in_dim3A_221 : f32 to vector<16xf32>
    %swap3A_223 = arith.constant 448 : index
    %swap3A_224 = tpu.vector_load %arg8[%swap3A_223] {strides = array<i32>} : memref<640xf32, #tpu.memory_space<vmem>>, vector<16xf32>,
    %swap3A_225 = vector.shape_cast %swap3A_224 : vector<16xf32> to vector<16xf32>
    %swap3A_226 = vector.shape_cast %broadcast_in_dim3A_222 : vector<16xf32> to vector<16xf32>
    tpu.vector_store %arg8[%swap3A_223], %swap3A_226 {strides = array<i32>} : memref<640xf32, #tpu.memory_space<vmem>>, vector<16xf32>,
    %broadcast_in_dim3A_227 = arith.constant 0.000000e+00 : f32
    %broadcast_in_dim3A_228 = vector.broadcast %broadcast_in_dim3A_227 : f32 to vector<16xf32>
    %swap3A_229 = arith.constant 464 : index
    %swap3A_230 = tpu.vector_load %arg8[%swap3A_229] {strides = array<i32>} : memref<640xf32, #tpu.memory_space<vmem>>, vector<16xf32>,
    %swap3A_231 = vector.shape_cast %swap3A_230 : vector<16xf32> to vector<16xf32>
    %swap3A_232 = vector.shape_cast %broadcast_in_dim3A_228 : vector<16xf32> to vector<16xf32>
    tpu.vector_store %arg8[%swap3A_229], %swap3A_232 {strides = array<i32>} : memref<640xf32, #tpu.memory_space<vmem>>, vector<16xf32>,
    %broadcast_in_dim3A_233 = arith.constant 0.000000e+00 : f32
    %broadcast_in_dim3A_234 = vector.broadcast %broadcast_in_dim3A_233 : f32 to vector<16xf32>
    %swap3A_235 = arith.constant 480 : index
    %swap3A_236 = tpu.vector_load %arg8[%swap3A_235] {strides = array<i32>} : memref<640xf32, #tpu.memory_space<vmem>>, vector<16xf32>,
    %swap3A_237 = vector.shape_cast %swap3A_236 : vector<16xf32> to vector<16xf32>
    %swap3A_238 = vector.shape_cast %broadcast_in_dim3A_234 : vector<16xf32> to vector<16xf32>
    tpu.vector_store %arg8[%swap3A_235], %swap3A_238 {strides = array<i32>} : memref<640xf32, #tpu.memory_space<vmem>>, vector<16xf32>,
    %broadcast_in_dim3A_239 = arith.constant 0.000000e+00 : f32
    %broadcast_in_dim3A_240 = vector.broadcast %broadcast_in_dim3A_239 : f32 to vector<16xf32>
    %swap3A_241 = arith.constant 496 : index
    %swap3A_242 = tpu.vector_load %arg8[%swap3A_241] {strides = array<i32>} : memref<640xf32, #tpu.memory_space<vmem>>, vector<16xf32>,
    %swap3A_243 = vector.shape_cast %swap3A_242 : vector<16xf32> to vector<16xf32>
    %swap3A_244 = vector.shape_cast %broadcast_in_dim3A_240 : vector<16xf32> to vector<16xf32>
    tpu.vector_store %arg8[%swap3A_241], %swap3A_244 {strides = array<i32>} : memref<640xf32, #tpu.memory_space<vmem>>, vector<16xf32>,
    %broadcast_in_dim3A_245 = arith.constant 0.000000e+00 : f32
    %broadcast_in_dim3A_246 = vector.broadcast %broadcast_in_dim3A_245 : f32 to vector<16xf32>
    %swap3A_247 = arith.constant 512 : index
    %swap3A_248 = tpu.vector_load %arg8[%swap3A_247] {strides = array<i32>} : memref<640xf32, #tpu.memory_space<vmem>>, vector<16xf32>,
    %swap3A_249 = vector.shape_cast %swap3A_248 : vector<16xf32> to vector<16xf32>
    %swap3A_250 = vector.shape_cast %broadcast_in_dim3A_246 : vector<16xf32> to vector<16xf32>
    tpu.vector_store %arg8[%swap3A_247], %swap3A_250 {strides = array<i32>} : memref<640xf32, #tpu.memory_space<vmem>>, vector<16xf32>,
    %broadcast_in_dim3A_251 = arith.constant 0.000000e+00 : f32
    %broadcast_in_dim3A_252 = vector.broadcast %broadcast_in_dim3A_251 : f32 to vector<16xf32>
    %swap3A_253 = arith.constant 528 : index
    %swap3A_254 = tpu.vector_load %arg8[%swap3A_253] {strides = array<i32>} : memref<640xf32, #tpu.memory_space<vmem>>, vector<16xf32>,
    %swap3A_255 = vector.shape_cast %swap3A_254 : vector<16xf32> to vector<16xf32>
    %swap3A_256 = vector.shape_cast %broadcast_in_dim3A_252 : vector<16xf32> to vector<16xf32>
    tpu.vector_store %arg8[%swap3A_253], %swap3A_256 {strides = array<i32>} : memref<640xf32, #tpu.memory_space<vmem>>, vector<16xf32>,
    %broadcast_in_dim3A_257 = arith.constant 0.000000e+00 : f32
    %broadcast_in_dim3A_258 = vector.broadcast %broadcast_in_dim3A_257 : f32 to vector<16xf32>
    %swap3A_259 = arith.constant 544 : index
    %swap3A_260 = tpu.vector_load %arg8[%swap3A_259] {strides = array<i32>} : memref<640xf32, #tpu.memory_space<vmem>>, vector<16xf32>,
    %swap3A_261 = vector.shape_cast %swap3A_260 : vector<16xf32> to vector<16xf32>
    %swap3A_262 = vector.shape_cast %broadcast_in_dim3A_258 : vector<16xf32> to vector<16xf32>
    tpu.vector_store %arg8[%swap3A_259], %swap3A_262 {strides = array<i32>} : memref<640xf32, #tpu.memory_space<vmem>>, vector<16xf32>,
    %broadcast_in_dim3A_263 = arith.constant 0.000000e+00 : f32
    %broadcast_in_dim3A_264 = vector.broadcast %broadcast_in_dim3A_263 : f32 to vector<16xf32>
    %swap3A_265 = arith.constant 560 : index
    %swap3A_266 = tpu.vector_load %arg8[%swap3A_265] {strides = array<i32>} : memref<640xf32, #tpu.memory_space<vmem>>, vector<16xf32>,
    %swap3A_267 = vector.shape_cast %swap3A_266 : vector<16xf32> to vector<16xf32>
    %swap3A_268 = vector.shape_cast %broadcast_in_dim3A_264 : vector<16xf32> to vector<16xf32>
    tpu.vector_store %arg8[%swap3A_265], %swap3A_268 {strides = array<i32>} : memref<640xf32, #tpu.memory_space<vmem>>, vector<16xf32>,
    %broadcast_in_dim3A_269 = arith.constant 0.000000e+00 : f32
    %broadcast_in_dim3A_270 = vector.broadcast %broadcast_in_dim3A_269 : f32 to vector<16xf32>
    %swap3A_271 = arith.constant 576 : index
    %swap3A_272 = tpu.vector_load %arg8[%swap3A_271] {strides = array<i32>} : memref<640xf32, #tpu.memory_space<vmem>>, vector<16xf32>,
    %swap3A_273 = vector.shape_cast %swap3A_272 : vector<16xf32> to vector<16xf32>
    %swap3A_274 = vector.shape_cast %broadcast_in_dim3A_270 : vector<16xf32> to vector<16xf32>
    tpu.vector_store %arg8[%swap3A_271], %swap3A_274 {strides = array<i32>} : memref<640xf32, #tpu.memory_space<vmem>>, vector<16xf32>,
    %broadcast_in_dim3A_275 = arith.constant 0.000000e+00 : f32
    %broadcast_in_dim3A_276 = vector.broadcast %broadcast_in_dim3A_275 : f32 to vector<16xf32>
    %swap3A_277 = arith.constant 592 : index
    %swap3A_278 = tpu.vector_load %arg8[%swap3A_277] {strides = array<i32>} : memref<640xf32, #tpu.memory_space<vmem>>, vector<16xf32>,
    %swap3A_279 = vector.shape_cast %swap3A_278 : vector<16xf32> to vector<16xf32>
    %swap3A_280 = vector.shape_cast %broadcast_in_dim3A_276 : vector<16xf32> to vector<16xf32>
    tpu.vector_store %arg8[%swap3A_277], %swap3A_280 {strides = array<i32>} : memref<640xf32, #tpu.memory_space<vmem>>, vector<16xf32>,
    %broadcast_in_dim3A_281 = arith.constant 0.000000e+00 : f32
    %broadcast_in_dim3A_282 = vector.broadcast %broadcast_in_dim3A_281 : f32 to vector<16xf32>
    %swap3A_283 = arith.constant 608 : index
    %swap3A_284 = tpu.vector_load %arg8[%swap3A_283] {strides = array<i32>} : memref<640xf32, #tpu.memory_space<vmem>>, vector<16xf32>,
    %swap3A_285 = vector.shape_cast %swap3A_284 : vector<16xf32> to vector<16xf32>
    %swap3A_286 = vector.shape_cast %broadcast_in_dim3A_282 : vector<16xf32> to vector<16xf32>
    tpu.vector_store %arg8[%swap3A_283], %swap3A_286 {strides = array<i32>} : memref<640xf32, #tpu.memory_space<vmem>>, vector<16xf32>,
    %broadcast_in_dim3A_287 = arith.constant 0.000000e+00 : f32
    %broadcast_in_dim3A_288 = vector.broadcast %broadcast_in_dim3A_287 : f32 to vector<16xf32>
    %swap3A_289 = arith.constant 624 : index
    %swap3A_290 = tpu.vector_load %arg8[%swap3A_289] {strides = array<i32>} : memref<640xf32, #tpu.memory_space<vmem>>, vector<16xf32>,
    %swap3A_291 = vector.shape_cast %swap3A_290 : vector<16xf32> to vector<16xf32>
    %swap3A_292 = vector.shape_cast %broadcast_in_dim3A_288 : vector<16xf32> to vector<16xf32>
    tpu.vector_store %arg8[%swap3A_289], %swap3A_292 {strides = array<i32>} : memref<640xf32, #tpu.memory_space<vmem>>, vector<16xf32>,
    %mul3A_293 = arith.constant 640 : i32
    %mul3A_294 = arith.muli %arg1, %mul3A_293 : i32
    "tpu.region"() ({
      %run_scoped3A = tpu.sem_alloc : memref<!tpu.dma_semaphore, #tpu.memory_space<semaphore_mem>>
      %dma_start3A = tpu.memref_slice %arg9[%mul3A_294] : memref<10240xf32, #tpu.memory_space<vmem_shared>> -> memref<640xf32, #tpu.memory_space<vmem_shared>>
      %dma_start3A_316 = tpu.memref_slice %arg9[%mul3A_294] : memref<10240xf32, #tpu.memory_space<vmem_shared>> -> memref<640xf32, #tpu.memory_space<vmem_shared>>
      tpu.enqueue_dma source(%arg8 : memref<640xf32, #tpu.memory_space<vmem>>) target(%dma_start3A_316 : memref<640xf32, #tpu.memory_space<vmem_shared>>) target_semaphore(%run_scoped3A : memref<!tpu.dma_semaphore, #tpu.memory_space<semaphore_mem>>)
      %dma_wait3A_317 = tpu.memref_slice %arg9[%mul3A_294] : memref<10240xf32, #tpu.memory_space<vmem_shared>> -> memref<640xf32, #tpu.memory_space<vmem_shared>>
      %dma_wait3A_318 = tpu.memref_slice %arg9[%mul3A_294] : memref<10240xf32, #tpu.memory_space<vmem_shared>> -> memref<640xf32, #tpu.memory_space<vmem_shared>>
      tpu.wait_dma2 semaphore(%run_scoped3A : memref<!tpu.dma_semaphore, #tpu.memory_space<semaphore_mem>>) src(%arg8 : memref<640xf32, #tpu.memory_space<vmem>>) dst(%dma_wait3A_318 : memref<640xf32, #tpu.memory_space<vmem_shared>>)
      tpu.yield
    }) : () -> ()
    %dma_wait3A = arith.constant 0 : i32
    %dma_wait3A_295 = arith.constant 0 : i32
    %dma_wait3A_296 = tpu.memref_slice %arg2[%dma_wait3A, %dma_wait3A_295] : memref<2500x128xi32, #tpu.memory_space<hbm>> -> memref<80x128xi32, #tpu.memory_space<hbm>>
    %dma_wait3A_297 = arith.constant 0 : i32
    %dma_wait3A_298 = arith.constant 0 : i32
    %dma_wait3A_299 = tpu.memref_slice %arg2[%dma_wait3A_297, %dma_wait3A_298] : memref<2500x128xi32, #tpu.memory_space<hbm>> -> memref<80x128xi32, #tpu.memory_space<hbm>>
    tpu.wait_dma2 semaphore(%arg10 : memref<!tpu.dma_semaphore, #tpu.memory_space<semaphore_mem>>) src(%dma_wait3A_299 : memref<80x128xi32, #tpu.memory_space<hbm>>) dst(%arg6 : memref<80x128xi32, #tpu.memory_space<vmem>>)
    %barrier3A = arith.constant 0 : index
    tpu.barrier barrier_id(%barrier3A)
    %scan3A = arith.constant 0 : i32
    %scan3A_300 = arith.constant 0 : i32
    %scan3A_301 = arith.constant 4 : i32
    %scan3A_302 = arith.addi %scan3A_300, %scan3A_301 : i32
    %scan3A_303 = arith.constant 1 : i32
    scf.for %scan3A_316 = %scan3A_300 to %scan3A_302 step %scan3A_303  : i32 {
      %mul3A_317 = arith.constant 20 : i32
      %mul3A_318 = arith.muli %scan3A_316, %mul3A_317 : i32
      %add3A_319 = arith.constant 0 : i32
      %add3A_320 = arith.addi %mul3A_318, %add3A_319 : i32
      %dma_start3A = arith.constant 0 : i32
      %dma_start3A_321 = tpu.memref_slice %arg6[%add3A_320, %dma_start3A] : memref<80x128xi32, #tpu.memory_space<vmem>> -> memref<1x128xi32, #tpu.memory_space<vmem>>
      %dma_start3A_322 = tpu.memref_squeeze %dma_start3A_321 : memref<1x128xi32, #tpu.memory_space<vmem>> -> memref<128xi32, #tpu.memory_space<vmem>>
      %dma_start3A_323 = arith.constant 0 : i32
      %dma_start3A_324 = tpu.memref_slice %arg9[%dma_start3A_323] : memref<10240xf32, #tpu.memory_space<vmem_shared>> -> memref<10240xf32, #tpu.memory_space<vmem_shared>>
      tpu.enqueue_indirect_dma source(%arg7 : memref<128xf32, #tpu.memory_space<vmem>>) target(%dma_start3A_324 : memref<10240xf32, #tpu.memory_space<vmem_shared>>) offsets(%dma_start3A_322 : memref<128xi32, #tpu.memory_space<vmem>>) semaphore(%arg11 : memref<!tpu.dma_semaphore, #tpu.memory_space<semaphore_mem>>) {add = true}
      %mul3A_325 = arith.constant 20 : i32
      %mul3A_326 = arith.muli %scan3A_316, %mul3A_325 : i32
      %add3A_327 = arith.constant 1 : i32
      %add3A_328 = arith.addi %mul3A_326, %add3A_327 : i32
      %dma_start3A_329 = arith.constant 0 : i32
      %dma_start3A_330 = tpu.memref_slice %arg6[%add3A_328, %dma_start3A_329] : memref<80x128xi32, #tpu.memory_space<vmem>> -> memref<1x128xi32, #tpu.memory_space<vmem>>
      %dma_start3A_331 = tpu.memref_squeeze %dma_start3A_330 : memref<1x128xi32, #tpu.memory_space<vmem>> -> memref<128xi32, #tpu.memory_space<vmem>>
      %dma_start3A_332 = arith.constant 0 : i32
      %dma_start3A_333 = tpu.memref_slice %arg9[%dma_start3A_332] : memref<10240xf32, #tpu.memory_space<vmem_shared>> -> memref<10240xf32, #tpu.memory_space<vmem_shared>>
      tpu.enqueue_indirect_dma source(%arg7 : memref<128xf32, #tpu.memory_space<vmem>>) target(%dma_start3A_333 : memref<10240xf32, #tpu.memory_space<vmem_shared>>) offsets(%dma_start3A_331 : memref<128xi32, #tpu.memory_space<vmem>>) semaphore(%arg11 : memref<!tpu.dma_semaphore, #tpu.memory_space<semaphore_mem>>) {add = true}
      %mul3A_334 = arith.constant 20 : i32
      %mul3A_335 = arith.muli %scan3A_316, %mul3A_334 : i32
      %add3A_336 = arith.constant 2 : i32
      %add3A_337 = arith.addi %mul3A_335, %add3A_336 : i32
      %dma_start3A_338 = arith.constant 0 : i32
      %dma_start3A_339 = tpu.memref_slice %arg6[%add3A_337, %dma_start3A_338] : memref<80x128xi32, #tpu.memory_space<vmem>> -> memref<1x128xi32, #tpu.memory_space<vmem>>
      %dma_start3A_340 = tpu.memref_squeeze %dma_start3A_339 : memref<1x128xi32, #tpu.memory_space<vmem>> -> memref<128xi32, #tpu.memory_space<vmem>>
      %dma_start3A_341 = arith.constant 0 : i32
      %dma_start3A_342 = tpu.memref_slice %arg9[%dma_start3A_341] : memref<10240xf32, #tpu.memory_space<vmem_shared>> -> memref<10240xf32, #tpu.memory_space<vmem_shared>>
      tpu.enqueue_indirect_dma source(%arg7 : memref<128xf32, #tpu.memory_space<vmem>>) target(%dma_start3A_342 : memref<10240xf32, #tpu.memory_space<vmem_shared>>) offsets(%dma_start3A_340 : memref<128xi32, #tpu.memory_space<vmem>>) semaphore(%arg11 : memref<!tpu.dma_semaphore, #tpu.memory_space<semaphore_mem>>) {add = true}
      %mul3A_343 = arith.constant 20 : i32
      %mul3A_344 = arith.muli %scan3A_316, %mul3A_343 : i32
      %add3A_345 = arith.constant 3 : i32
      %add3A_346 = arith.addi %mul3A_344, %add3A_345 : i32
      %dma_start3A_347 = arith.constant 0 : i32
      %dma_start3A_348 = tpu.memref_slice %arg6[%add3A_346, %dma_start3A_347] : memref<80x128xi32, #tpu.memory_space<vmem>> -> memref<1x128xi32, #tpu.memory_space<vmem>>
      %dma_start3A_349 = tpu.memref_squeeze %dma_start3A_348 : memref<1x128xi32, #tpu.memory_space<vmem>> -> memref<128xi32, #tpu.memory_space<vmem>>
      %dma_start3A_350 = arith.constant 0 : i32
      %dma_start3A_351 = tpu.memref_slice %arg9[%dma_start3A_350] : memref<10240xf32, #tpu.memory_space<vmem_shared>> -> memref<10240xf32, #tpu.memory_space<vmem_shared>>
      tpu.enqueue_indirect_dma source(%arg7 : memref<128xf32, #tpu.memory_space<vmem>>) target(%dma_start3A_351 : memref<10240xf32, #tpu.memory_space<vmem_shared>>) offsets(%dma_start3A_349 : memref<128xi32, #tpu.memory_space<vmem>>) semaphore(%arg11 : memref<!tpu.dma_semaphore, #tpu.memory_space<semaphore_mem>>) {add = true}
      %mul3A_352 = arith.constant 20 : i32
      %mul3A_353 = arith.muli %scan3A_316, %mul3A_352 : i32
      %add3A_354 = arith.constant 4 : i32
      %add3A_355 = arith.addi %mul3A_353, %add3A_354 : i32
      %dma_start3A_356 = arith.constant 0 : i32
      %dma_start3A_357 = tpu.memref_slice %arg6[%add3A_355, %dma_start3A_356] : memref<80x128xi32, #tpu.memory_space<vmem>> -> memref<1x128xi32, #tpu.memory_space<vmem>>
      %dma_start3A_358 = tpu.memref_squeeze %dma_start3A_357 : memref<1x128xi32, #tpu.memory_space<vmem>> -> memref<128xi32, #tpu.memory_space<vmem>>
      %dma_start3A_359 = arith.constant 0 : i32
      %dma_start3A_360 = tpu.memref_slice %arg9[%dma_start3A_359] : memref<10240xf32, #tpu.memory_space<vmem_shared>> -> memref<10240xf32, #tpu.memory_space<vmem_shared>>
      tpu.enqueue_indirect_dma source(%arg7 : memref<128xf32, #tpu.memory_space<vmem>>) target(%dma_start3A_360 : memref<10240xf32, #tpu.memory_space<vmem_shared>>) offsets(%dma_start3A_358 : memref<128xi32, #tpu.memory_space<vmem>>) semaphore(%arg11 : memref<!tpu.dma_semaphore, #tpu.memory_space<semaphore_mem>>) {add = true}
      %mul3A_361 = arith.constant 20 : i32
      %mul3A_362 = arith.muli %scan3A_316, %mul3A_361 : i32
      %add3A_363 = arith.constant 5 : i32
      %add3A_364 = arith.addi %mul3A_362, %add3A_363 : i32
      %dma_start3A_365 = arith.constant 0 : i32
      %dma_start3A_366 = tpu.memref_slice %arg6[%add3A_364, %dma_start3A_365] : memref<80x128xi32, #tpu.memory_space<vmem>> -> memref<1x128xi32, #tpu.memory_space<vmem>>
      %dma_start3A_367 = tpu.memref_squeeze %dma_start3A_366 : memref<1x128xi32, #tpu.memory_space<vmem>> -> memref<128xi32, #tpu.memory_space<vmem>>
      %dma_start3A_368 = arith.constant 0 : i32
      %dma_start3A_369 = tpu.memref_slice %arg9[%dma_start3A_368] : memref<10240xf32, #tpu.memory_space<vmem_shared>> -> memref<10240xf32, #tpu.memory_space<vmem_shared>>
      tpu.enqueue_indirect_dma source(%arg7 : memref<128xf32, #tpu.memory_space<vmem>>) target(%dma_start3A_369 : memref<10240xf32, #tpu.memory_space<vmem_shared>>) offsets(%dma_start3A_367 : memref<128xi32, #tpu.memory_space<vmem>>) semaphore(%arg11 : memref<!tpu.dma_semaphore, #tpu.memory_space<semaphore_mem>>) {add = true}
      %mul3A_370 = arith.constant 20 : i32
      %mul3A_371 = arith.muli %scan3A_316, %mul3A_370 : i32
      %add3A_372 = arith.constant 6 : i32
      %add3A_373 = arith.addi %mul3A_371, %add3A_372 : i32
      %dma_start3A_374 = arith.constant 0 : i32
      %dma_start3A_375 = tpu.memref_slice %arg6[%add3A_373, %dma_start3A_374] : memref<80x128xi32, #tpu.memory_space<vmem>> -> memref<1x128xi32, #tpu.memory_space<vmem>>
      %dma_start3A_376 = tpu.memref_squeeze %dma_start3A_375 : memref<1x128xi32, #tpu.memory_space<vmem>> -> memref<128xi32, #tpu.memory_space<vmem>>
      %dma_start3A_377 = arith.constant 0 : i32
      %dma_start3A_378 = tpu.memref_slice %arg9[%dma_start3A_377] : memref<10240xf32, #tpu.memory_space<vmem_shared>> -> memref<10240xf32, #tpu.memory_space<vmem_shared>>
      tpu.enqueue_indirect_dma source(%arg7 : memref<128xf32, #tpu.memory_space<vmem>>) target(%dma_start3A_378 : memref<10240xf32, #tpu.memory_space<vmem_shared>>) offsets(%dma_start3A_376 : memref<128xi32, #tpu.memory_space<vmem>>) semaphore(%arg11 : memref<!tpu.dma_semaphore, #tpu.memory_space<semaphore_mem>>) {add = true}
      %mul3A_379 = arith.constant 20 : i32
      %mul3A_380 = arith.muli %scan3A_316, %mul3A_379 : i32
      %add3A_381 = arith.constant 7 : i32
      %add3A_382 = arith.addi %mul3A_380, %add3A_381 : i32
      %dma_start3A_383 = arith.constant 0 : i32
      %dma_start3A_384 = tpu.memref_slice %arg6[%add3A_382, %dma_start3A_383] : memref<80x128xi32, #tpu.memory_space<vmem>> -> memref<1x128xi32, #tpu.memory_space<vmem>>
      %dma_start3A_385 = tpu.memref_squeeze %dma_start3A_384 : memref<1x128xi32, #tpu.memory_space<vmem>> -> memref<128xi32, #tpu.memory_space<vmem>>
      %dma_start3A_386 = arith.constant 0 : i32
      %dma_start3A_387 = tpu.memref_slice %arg9[%dma_start3A_386] : memref<10240xf32, #tpu.memory_space<vmem_shared>> -> memref<10240xf32, #tpu.memory_space<vmem_shared>>
      tpu.enqueue_indirect_dma source(%arg7 : memref<128xf32, #tpu.memory_space<vmem>>) target(%dma_start3A_387 : memref<10240xf32, #tpu.memory_space<vmem_shared>>) offsets(%dma_start3A_385 : memref<128xi32, #tpu.memory_space<vmem>>) semaphore(%arg11 : memref<!tpu.dma_semaphore, #tpu.memory_space<semaphore_mem>>) {add = true}
      %mul3A_388 = arith.constant 20 : i32
      %mul3A_389 = arith.muli %scan3A_316, %mul3A_388 : i32
      %add3A_390 = arith.constant 8 : i32
      %add3A_391 = arith.addi %mul3A_389, %add3A_390 : i32
      %dma_start3A_392 = arith.constant 0 : i32
      %dma_start3A_393 = tpu.memref_slice %arg6[%add3A_391, %dma_start3A_392] : memref<80x128xi32, #tpu.memory_space<vmem>> -> memref<1x128xi32, #tpu.memory_space<vmem>>
      %dma_start3A_394 = tpu.memref_squeeze %dma_start3A_393 : memref<1x128xi32, #tpu.memory_space<vmem>> -> memref<128xi32, #tpu.memory_space<vmem>>
      %dma_start3A_395 = arith.constant 0 : i32
      %dma_start3A_396 = tpu.memref_slice %arg9[%dma_start3A_395] : memref<10240xf32, #tpu.memory_space<vmem_shared>> -> memref<10240xf32, #tpu.memory_space<vmem_shared>>
      tpu.enqueue_indirect_dma source(%arg7 : memref<128xf32, #tpu.memory_space<vmem>>) target(%dma_start3A_396 : memref<10240xf32, #tpu.memory_space<vmem_shared>>) offsets(%dma_start3A_394 : memref<128xi32, #tpu.memory_space<vmem>>) semaphore(%arg11 : memref<!tpu.dma_semaphore, #tpu.memory_space<semaphore_mem>>) {add = true}
      %mul3A_397 = arith.constant 20 : i32
      %mul3A_398 = arith.muli %scan3A_316, %mul3A_397 : i32
      %add3A_399 = arith.constant 9 : i32
      %add3A_400 = arith.addi %mul3A_398, %add3A_399 : i32
      %dma_start3A_401 = arith.constant 0 : i32
      %dma_start3A_402 = tpu.memref_slice %arg6[%add3A_400, %dma_start3A_401] : memref<80x128xi32, #tpu.memory_space<vmem>> -> memref<1x128xi32, #tpu.memory_space<vmem>>
      %dma_start3A_403 = tpu.memref_squeeze %dma_start3A_402 : memref<1x128xi32, #tpu.memory_space<vmem>> -> memref<128xi32, #tpu.memory_space<vmem>>
      %dma_start3A_404 = arith.constant 0 : i32
      %dma_start3A_405 = tpu.memref_slice %arg9[%dma_start3A_404] : memref<10240xf32, #tpu.memory_space<vmem_shared>> -> memref<10240xf32, #tpu.memory_space<vmem_shared>>
      tpu.enqueue_indirect_dma source(%arg7 : memref<128xf32, #tpu.memory_space<vmem>>) target(%dma_start3A_405 : memref<10240xf32, #tpu.memory_space<vmem_shared>>) offsets(%dma_start3A_403 : memref<128xi32, #tpu.memory_space<vmem>>) semaphore(%arg11 : memref<!tpu.dma_semaphore, #tpu.memory_space<semaphore_mem>>) {add = true}
      %mul3A_406 = arith.constant 20 : i32
      %mul3A_407 = arith.muli %scan3A_316, %mul3A_406 : i32
      %add3A_408 = arith.constant 10 : i32
      %add3A_409 = arith.addi %mul3A_407, %add3A_408 : i32
      %dma_start3A_410 = arith.constant 0 : i32
      %dma_start3A_411 = tpu.memref_slice %arg6[%add3A_409, %dma_start3A_410] : memref<80x128xi32, #tpu.memory_space<vmem>> -> memref<1x128xi32, #tpu.memory_space<vmem>>
      %dma_start3A_412 = tpu.memref_squeeze %dma_start3A_411 : memref<1x128xi32, #tpu.memory_space<vmem>> -> memref<128xi32, #tpu.memory_space<vmem>>
      %dma_start3A_413 = arith.constant 0 : i32
      %dma_start3A_414 = tpu.memref_slice %arg9[%dma_start3A_413] : memref<10240xf32, #tpu.memory_space<vmem_shared>> -> memref<10240xf32, #tpu.memory_space<vmem_shared>>
      tpu.enqueue_indirect_dma source(%arg7 : memref<128xf32, #tpu.memory_space<vmem>>) target(%dma_start3A_414 : memref<10240xf32, #tpu.memory_space<vmem_shared>>) offsets(%dma_start3A_412 : memref<128xi32, #tpu.memory_space<vmem>>) semaphore(%arg11 : memref<!tpu.dma_semaphore, #tpu.memory_space<semaphore_mem>>) {add = true}
      %mul3A_415 = arith.constant 20 : i32
      %mul3A_416 = arith.muli %scan3A_316, %mul3A_415 : i32
      %add3A_417 = arith.constant 11 : i32
      %add3A_418 = arith.addi %mul3A_416, %add3A_417 : i32
      %dma_start3A_419 = arith.constant 0 : i32
      %dma_start3A_420 = tpu.memref_slice %arg6[%add3A_418, %dma_start3A_419] : memref<80x128xi32, #tpu.memory_space<vmem>> -> memref<1x128xi32, #tpu.memory_space<vmem>>
      %dma_start3A_421 = tpu.memref_squeeze %dma_start3A_420 : memref<1x128xi32, #tpu.memory_space<vmem>> -> memref<128xi32, #tpu.memory_space<vmem>>
      %dma_start3A_422 = arith.constant 0 : i32
      %dma_start3A_423 = tpu.memref_slice %arg9[%dma_start3A_422] : memref<10240xf32, #tpu.memory_space<vmem_shared>> -> memref<10240xf32, #tpu.memory_space<vmem_shared>>
      tpu.enqueue_indirect_dma source(%arg7 : memref<128xf32, #tpu.memory_space<vmem>>) target(%dma_start3A_423 : memref<10240xf32, #tpu.memory_space<vmem_shared>>) offsets(%dma_start3A_421 : memref<128xi32, #tpu.memory_space<vmem>>) semaphore(%arg11 : memref<!tpu.dma_semaphore, #tpu.memory_space<semaphore_mem>>) {add = true}
      %mul3A_424 = arith.constant 20 : i32
      %mul3A_425 = arith.muli %scan3A_316, %mul3A_424 : i32
      %add3A_426 = arith.constant 12 : i32
      %add3A_427 = arith.addi %mul3A_425, %add3A_426 : i32
      %dma_start3A_428 = arith.constant 0 : i32
      %dma_start3A_429 = tpu.memref_slice %arg6[%add3A_427, %dma_start3A_428] : memref<80x128xi32, #tpu.memory_space<vmem>> -> memref<1x128xi32, #tpu.memory_space<vmem>>
      %dma_start3A_430 = tpu.memref_squeeze %dma_start3A_429 : memref<1x128xi32, #tpu.memory_space<vmem>> -> memref<128xi32, #tpu.memory_space<vmem>>
      %dma_start3A_431 = arith.constant 0 : i32
      %dma_start3A_432 = tpu.memref_slice %arg9[%dma_start3A_431] : memref<10240xf32, #tpu.memory_space<vmem_shared>> -> memref<10240xf32, #tpu.memory_space<vmem_shared>>
      tpu.enqueue_indirect_dma source(%arg7 : memref<128xf32, #tpu.memory_space<vmem>>) target(%dma_start3A_432 : memref<10240xf32, #tpu.memory_space<vmem_shared>>) offsets(%dma_start3A_430 : memref<128xi32, #tpu.memory_space<vmem>>) semaphore(%arg11 : memref<!tpu.dma_semaphore, #tpu.memory_space<semaphore_mem>>) {add = true}
      %mul3A_433 = arith.constant 20 : i32
      %mul3A_434 = arith.muli %scan3A_316, %mul3A_433 : i32
      %add3A_435 = arith.constant 13 : i32
      %add3A_436 = arith.addi %mul3A_434, %add3A_435 : i32
      %dma_start3A_437 = arith.constant 0 : i32
      %dma_start3A_438 = tpu.memref_slice %arg6[%add3A_436, %dma_start3A_437] : memref<80x128xi32, #tpu.memory_space<vmem>> -> memref<1x128xi32, #tpu.memory_space<vmem>>
      %dma_start3A_439 = tpu.memref_squeeze %dma_start3A_438 : memref<1x128xi32, #tpu.memory_space<vmem>> -> memref<128xi32, #tpu.memory_space<vmem>>
      %dma_start3A_440 = arith.constant 0 : i32
      %dma_start3A_441 = tpu.memref_slice %arg9[%dma_start3A_440] : memref<10240xf32, #tpu.memory_space<vmem_shared>> -> memref<10240xf32, #tpu.memory_space<vmem_shared>>
      tpu.enqueue_indirect_dma source(%arg7 : memref<128xf32, #tpu.memory_space<vmem>>) target(%dma_start3A_441 : memref<10240xf32, #tpu.memory_space<vmem_shared>>) offsets(%dma_start3A_439 : memref<128xi32, #tpu.memory_space<vmem>>) semaphore(%arg11 : memref<!tpu.dma_semaphore, #tpu.memory_space<semaphore_mem>>) {add = true}
      %mul3A_442 = arith.constant 20 : i32
      %mul3A_443 = arith.muli %scan3A_316, %mul3A_442 : i32
      %add3A_444 = arith.constant 14 : i32
      %add3A_445 = arith.addi %mul3A_443, %add3A_444 : i32
      %dma_start3A_446 = arith.constant 0 : i32
      %dma_start3A_447 = tpu.memref_slice %arg6[%add3A_445, %dma_start3A_446] : memref<80x128xi32, #tpu.memory_space<vmem>> -> memref<1x128xi32, #tpu.memory_space<vmem>>
      %dma_start3A_448 = tpu.memref_squeeze %dma_start3A_447 : memref<1x128xi32, #tpu.memory_space<vmem>> -> memref<128xi32, #tpu.memory_space<vmem>>
      %dma_start3A_449 = arith.constant 0 : i32
      %dma_start3A_450 = tpu.memref_slice %arg9[%dma_start3A_449] : memref<10240xf32, #tpu.memory_space<vmem_shared>> -> memref<10240xf32, #tpu.memory_space<vmem_shared>>
      tpu.enqueue_indirect_dma source(%arg7 : memref<128xf32, #tpu.memory_space<vmem>>) target(%dma_start3A_450 : memref<10240xf32, #tpu.memory_space<vmem_shared>>) offsets(%dma_start3A_448 : memref<128xi32, #tpu.memory_space<vmem>>) semaphore(%arg11 : memref<!tpu.dma_semaphore, #tpu.memory_space<semaphore_mem>>) {add = true}
      %mul3A_451 = arith.constant 20 : i32
      %mul3A_452 = arith.muli %scan3A_316, %mul3A_451 : i32
      %add3A_453 = arith.constant 15 : i32
      %add3A_454 = arith.addi %mul3A_452, %add3A_453 : i32
      %dma_start3A_455 = arith.constant 0 : i32
      %dma_start3A_456 = tpu.memref_slice %arg6[%add3A_454, %dma_start3A_455] : memref<80x128xi32, #tpu.memory_space<vmem>> -> memref<1x128xi32, #tpu.memory_space<vmem>>
      %dma_start3A_457 = tpu.memref_squeeze %dma_start3A_456 : memref<1x128xi32, #tpu.memory_space<vmem>> -> memref<128xi32, #tpu.memory_space<vmem>>
      %dma_start3A_458 = arith.constant 0 : i32
      %dma_start3A_459 = tpu.memref_slice %arg9[%dma_start3A_458] : memref<10240xf32, #tpu.memory_space<vmem_shared>> -> memref<10240xf32, #tpu.memory_space<vmem_shared>>
      tpu.enqueue_indirect_dma source(%arg7 : memref<128xf32, #tpu.memory_space<vmem>>) target(%dma_start3A_459 : memref<10240xf32, #tpu.memory_space<vmem_shared>>) offsets(%dma_start3A_457 : memref<128xi32, #tpu.memory_space<vmem>>) semaphore(%arg11 : memref<!tpu.dma_semaphore, #tpu.memory_space<semaphore_mem>>) {add = true}
      %mul3A_460 = arith.constant 20 : i32
      %mul3A_461 = arith.muli %scan3A_316, %mul3A_460 : i32
      %add3A_462 = arith.constant 16 : i32
      %add3A_463 = arith.addi %mul3A_461, %add3A_462 : i32
      %dma_start3A_464 = arith.constant 0 : i32
      %dma_start3A_465 = tpu.memref_slice %arg6[%add3A_463, %dma_start3A_464] : memref<80x128xi32, #tpu.memory_space<vmem>> -> memref<1x128xi32, #tpu.memory_space<vmem>>
      %dma_start3A_466 = tpu.memref_squeeze %dma_start3A_465 : memref<1x128xi32, #tpu.memory_space<vmem>> -> memref<128xi32, #tpu.memory_space<vmem>>
      %dma_start3A_467 = arith.constant 0 : i32
      %dma_start3A_468 = tpu.memref_slice %arg9[%dma_start3A_467] : memref<10240xf32, #tpu.memory_space<vmem_shared>> -> memref<10240xf32, #tpu.memory_space<vmem_shared>>
      tpu.enqueue_indirect_dma source(%arg7 : memref<128xf32, #tpu.memory_space<vmem>>) target(%dma_start3A_468 : memref<10240xf32, #tpu.memory_space<vmem_shared>>) offsets(%dma_start3A_466 : memref<128xi32, #tpu.memory_space<vmem>>) semaphore(%arg11 : memref<!tpu.dma_semaphore, #tpu.memory_space<semaphore_mem>>) {add = true}
      %mul3A_469 = arith.constant 20 : i32
      %mul3A_470 = arith.muli %scan3A_316, %mul3A_469 : i32
      %add3A_471 = arith.constant 17 : i32
      %add3A_472 = arith.addi %mul3A_470, %add3A_471 : i32
      %dma_start3A_473 = arith.constant 0 : i32
      %dma_start3A_474 = tpu.memref_slice %arg6[%add3A_472, %dma_start3A_473] : memref<80x128xi32, #tpu.memory_space<vmem>> -> memref<1x128xi32, #tpu.memory_space<vmem>>
      %dma_start3A_475 = tpu.memref_squeeze %dma_start3A_474 : memref<1x128xi32, #tpu.memory_space<vmem>> -> memref<128xi32, #tpu.memory_space<vmem>>
      %dma_start3A_476 = arith.constant 0 : i32
      %dma_start3A_477 = tpu.memref_slice %arg9[%dma_start3A_476] : memref<10240xf32, #tpu.memory_space<vmem_shared>> -> memref<10240xf32, #tpu.memory_space<vmem_shared>>
      tpu.enqueue_indirect_dma source(%arg7 : memref<128xf32, #tpu.memory_space<vmem>>) target(%dma_start3A_477 : memref<10240xf32, #tpu.memory_space<vmem_shared>>) offsets(%dma_start3A_475 : memref<128xi32, #tpu.memory_space<vmem>>) semaphore(%arg11 : memref<!tpu.dma_semaphore, #tpu.memory_space<semaphore_mem>>) {add = true}
      %mul3A_478 = arith.constant 20 : i32
      %mul3A_479 = arith.muli %scan3A_316, %mul3A_478 : i32
      %add3A_480 = arith.constant 18 : i32
      %add3A_481 = arith.addi %mul3A_479, %add3A_480 : i32
      %dma_start3A_482 = arith.constant 0 : i32
      %dma_start3A_483 = tpu.memref_slice %arg6[%add3A_481, %dma_start3A_482] : memref<80x128xi32, #tpu.memory_space<vmem>> -> memref<1x128xi32, #tpu.memory_space<vmem>>
      %dma_start3A_484 = tpu.memref_squeeze %dma_start3A_483 : memref<1x128xi32, #tpu.memory_space<vmem>> -> memref<128xi32, #tpu.memory_space<vmem>>
      %dma_start3A_485 = arith.constant 0 : i32
      %dma_start3A_486 = tpu.memref_slice %arg9[%dma_start3A_485] : memref<10240xf32, #tpu.memory_space<vmem_shared>> -> memref<10240xf32, #tpu.memory_space<vmem_shared>>
      tpu.enqueue_indirect_dma source(%arg7 : memref<128xf32, #tpu.memory_space<vmem>>) target(%dma_start3A_486 : memref<10240xf32, #tpu.memory_space<vmem_shared>>) offsets(%dma_start3A_484 : memref<128xi32, #tpu.memory_space<vmem>>) semaphore(%arg11 : memref<!tpu.dma_semaphore, #tpu.memory_space<semaphore_mem>>) {add = true}
      %mul3A_487 = arith.constant 20 : i32
      %mul3A_488 = arith.muli %scan3A_316, %mul3A_487 : i32
      %add3A_489 = arith.constant 19 : i32
      %add3A_490 = arith.addi %mul3A_488, %add3A_489 : i32
      %dma_start3A_491 = arith.constant 0 : i32
      %dma_start3A_492 = tpu.memref_slice %arg6[%add3A_490, %dma_start3A_491] : memref<80x128xi32, #tpu.memory_space<vmem>> -> memref<1x128xi32, #tpu.memory_space<vmem>>
      %dma_start3A_493 = tpu.memref_squeeze %dma_start3A_492 : memref<1x128xi32, #tpu.memory_space<vmem>> -> memref<128xi32, #tpu.memory_space<vmem>>
      %dma_start3A_494 = arith.constant 0 : i32
      %dma_start3A_495 = tpu.memref_slice %arg9[%dma_start3A_494] : memref<10240xf32, #tpu.memory_space<vmem_shared>> -> memref<10240xf32, #tpu.memory_space<vmem_shared>>
      tpu.enqueue_indirect_dma source(%arg7 : memref<128xf32, #tpu.memory_space<vmem>>) target(%dma_start3A_495 : memref<10240xf32, #tpu.memory_space<vmem_shared>>) offsets(%dma_start3A_493 : memref<128xi32, #tpu.memory_space<vmem>>) semaphore(%arg11 : memref<!tpu.dma_semaphore, #tpu.memory_space<semaphore_mem>>) {add = true}
      %dma_wait3A_496 = arith.constant 0 : i32
      %dma_wait3A_497 = tpu.memref_slice %arg6[%add3A_320, %dma_wait3A_496] : memref<80x128xi32, #tpu.memory_space<vmem>> -> memref<1x128xi32, #tpu.memory_space<vmem>>
      %dma_wait3A_498 = tpu.memref_squeeze %dma_wait3A_497 : memref<1x128xi32, #tpu.memory_space<vmem>> -> memref<128xi32, #tpu.memory_space<vmem>>
      %dma_wait3A_499 = arith.constant 0 : i32
      %dma_wait3A_500 = tpu.memref_slice %arg9[%dma_wait3A_499] : memref<10240xf32, #tpu.memory_space<vmem_shared>> -> memref<10240xf32, #tpu.memory_space<vmem_shared>>
      tpu.wait_indirect_dma semaphore(%arg11 : memref<!tpu.dma_semaphore, #tpu.memory_space<semaphore_mem>>) src(%arg7 : memref<128xf32, #tpu.memory_space<vmem>>) dst(%dma_wait3A_500 : memref<10240xf32, #tpu.memory_space<vmem_shared>>)
      %dma_wait3A_501 = arith.constant 0 : i32
      %dma_wait3A_502 = tpu.memref_slice %arg6[%add3A_328, %dma_wait3A_501] : memref<80x128xi32, #tpu.memory_space<vmem>> -> memref<1x128xi32, #tpu.memory_space<vmem>>
      %dma_wait3A_503 = tpu.memref_squeeze %dma_wait3A_502 : memref<1x128xi32, #tpu.memory_space<vmem>> -> memref<128xi32, #tpu.memory_space<vmem>>
      %dma_wait3A_504 = arith.constant 0 : i32
      %dma_wait3A_505 = tpu.memref_slice %arg9[%dma_wait3A_504] : memref<10240xf32, #tpu.memory_space<vmem_shared>> -> memref<10240xf32, #tpu.memory_space<vmem_shared>>
      tpu.wait_indirect_dma semaphore(%arg11 : memref<!tpu.dma_semaphore, #tpu.memory_space<semaphore_mem>>) src(%arg7 : memref<128xf32, #tpu.memory_space<vmem>>) dst(%dma_wait3A_505 : memref<10240xf32, #tpu.memory_space<vmem_shared>>)
      %dma_wait3A_506 = arith.constant 0 : i32
      %dma_wait3A_507 = tpu.memref_slice %arg6[%add3A_337, %dma_wait3A_506] : memref<80x128xi32, #tpu.memory_space<vmem>> -> memref<1x128xi32, #tpu.memory_space<vmem>>
      %dma_wait3A_508 = tpu.memref_squeeze %dma_wait3A_507 : memref<1x128xi32, #tpu.memory_space<vmem>> -> memref<128xi32, #tpu.memory_space<vmem>>
      %dma_wait3A_509 = arith.constant 0 : i32
      %dma_wait3A_510 = tpu.memref_slice %arg9[%dma_wait3A_509] : memref<10240xf32, #tpu.memory_space<vmem_shared>> -> memref<10240xf32, #tpu.memory_space<vmem_shared>>
      tpu.wait_indirect_dma semaphore(%arg11 : memref<!tpu.dma_semaphore, #tpu.memory_space<semaphore_mem>>) src(%arg7 : memref<128xf32, #tpu.memory_space<vmem>>) dst(%dma_wait3A_510 : memref<10240xf32, #tpu.memory_space<vmem_shared>>)
      %dma_wait3A_511 = arith.constant 0 : i32
      %dma_wait3A_512 = tpu.memref_slice %arg6[%add3A_346, %dma_wait3A_511] : memref<80x128xi32, #tpu.memory_space<vmem>> -> memref<1x128xi32, #tpu.memory_space<vmem>>
      %dma_wait3A_513 = tpu.memref_squeeze %dma_wait3A_512 : memref<1x128xi32, #tpu.memory_space<vmem>> -> memref<128xi32, #tpu.memory_space<vmem>>
      %dma_wait3A_514 = arith.constant 0 : i32
      %dma_wait3A_515 = tpu.memref_slice %arg9[%dma_wait3A_514] : memref<10240xf32, #tpu.memory_space<vmem_shared>> -> memref<10240xf32, #tpu.memory_space<vmem_shared>>
      tpu.wait_indirect_dma semaphore(%arg11 : memref<!tpu.dma_semaphore, #tpu.memory_space<semaphore_mem>>) src(%arg7 : memref<128xf32, #tpu.memory_space<vmem>>) dst(%dma_wait3A_515 : memref<10240xf32, #tpu.memory_space<vmem_shared>>)
      %dma_wait3A_516 = arith.constant 0 : i32
      %dma_wait3A_517 = tpu.memref_slice %arg6[%add3A_355, %dma_wait3A_516] : memref<80x128xi32, #tpu.memory_space<vmem>> -> memref<1x128xi32, #tpu.memory_space<vmem>>
      %dma_wait3A_518 = tpu.memref_squeeze %dma_wait3A_517 : memref<1x128xi32, #tpu.memory_space<vmem>> -> memref<128xi32, #tpu.memory_space<vmem>>
      %dma_wait3A_519 = arith.constant 0 : i32
      %dma_wait3A_520 = tpu.memref_slice %arg9[%dma_wait3A_519] : memref<10240xf32, #tpu.memory_space<vmem_shared>> -> memref<10240xf32, #tpu.memory_space<vmem_shared>>
      tpu.wait_indirect_dma semaphore(%arg11 : memref<!tpu.dma_semaphore, #tpu.memory_space<semaphore_mem>>) src(%arg7 : memref<128xf32, #tpu.memory_space<vmem>>) dst(%dma_wait3A_520 : memref<10240xf32, #tpu.memory_space<vmem_shared>>)
      %dma_wait3A_521 = arith.constant 0 : i32
      %dma_wait3A_522 = tpu.memref_slice %arg6[%add3A_364, %dma_wait3A_521] : memref<80x128xi32, #tpu.memory_space<vmem>> -> memref<1x128xi32, #tpu.memory_space<vmem>>
      %dma_wait3A_523 = tpu.memref_squeeze %dma_wait3A_522 : memref<1x128xi32, #tpu.memory_space<vmem>> -> memref<128xi32, #tpu.memory_space<vmem>>
      %dma_wait3A_524 = arith.constant 0 : i32
      %dma_wait3A_525 = tpu.memref_slice %arg9[%dma_wait3A_524] : memref<10240xf32, #tpu.memory_space<vmem_shared>> -> memref<10240xf32, #tpu.memory_space<vmem_shared>>
      tpu.wait_indirect_dma semaphore(%arg11 : memref<!tpu.dma_semaphore, #tpu.memory_space<semaphore_mem>>) src(%arg7 : memref<128xf32, #tpu.memory_space<vmem>>) dst(%dma_wait3A_525 : memref<10240xf32, #tpu.memory_space<vmem_shared>>)
      %dma_wait3A_526 = arith.constant 0 : i32
      %dma_wait3A_527 = tpu.memref_slice %arg6[%add3A_373, %dma_wait3A_526] : memref<80x128xi32, #tpu.memory_space<vmem>> -> memref<1x128xi32, #tpu.memory_space<vmem>>
      %dma_wait3A_528 = tpu.memref_squeeze %dma_wait3A_527 : memref<1x128xi32, #tpu.memory_space<vmem>> -> memref<128xi32, #tpu.memory_space<vmem>>
      %dma_wait3A_529 = arith.constant 0 : i32
      %dma_wait3A_530 = tpu.memref_slice %arg9[%dma_wait3A_529] : memref<10240xf32, #tpu.memory_space<vmem_shared>> -> memref<10240xf32, #tpu.memory_space<vmem_shared>>
      tpu.wait_indirect_dma semaphore(%arg11 : memref<!tpu.dma_semaphore, #tpu.memory_space<semaphore_mem>>) src(%arg7 : memref<128xf32, #tpu.memory_space<vmem>>) dst(%dma_wait3A_530 : memref<10240xf32, #tpu.memory_space<vmem_shared>>)
      %dma_wait3A_531 = arith.constant 0 : i32
      %dma_wait3A_532 = tpu.memref_slice %arg6[%add3A_382, %dma_wait3A_531] : memref<80x128xi32, #tpu.memory_space<vmem>> -> memref<1x128xi32, #tpu.memory_space<vmem>>
      %dma_wait3A_533 = tpu.memref_squeeze %dma_wait3A_532 : memref<1x128xi32, #tpu.memory_space<vmem>> -> memref<128xi32, #tpu.memory_space<vmem>>
      %dma_wait3A_534 = arith.constant 0 : i32
      %dma_wait3A_535 = tpu.memref_slice %arg9[%dma_wait3A_534] : memref<10240xf32, #tpu.memory_space<vmem_shared>> -> memref<10240xf32, #tpu.memory_space<vmem_shared>>
      tpu.wait_indirect_dma semaphore(%arg11 : memref<!tpu.dma_semaphore, #tpu.memory_space<semaphore_mem>>) src(%arg7 : memref<128xf32, #tpu.memory_space<vmem>>) dst(%dma_wait3A_535 : memref<10240xf32, #tpu.memory_space<vmem_shared>>)
      %dma_wait3A_536 = arith.constant 0 : i32
      %dma_wait3A_537 = tpu.memref_slice %arg6[%add3A_391, %dma_wait3A_536] : memref<80x128xi32, #tpu.memory_space<vmem>> -> memref<1x128xi32, #tpu.memory_space<vmem>>
      %dma_wait3A_538 = tpu.memref_squeeze %dma_wait3A_537 : memref<1x128xi32, #tpu.memory_space<vmem>> -> memref<128xi32, #tpu.memory_space<vmem>>
      %dma_wait3A_539 = arith.constant 0 : i32
      %dma_wait3A_540 = tpu.memref_slice %arg9[%dma_wait3A_539] : memref<10240xf32, #tpu.memory_space<vmem_shared>> -> memref<10240xf32, #tpu.memory_space<vmem_shared>>
      tpu.wait_indirect_dma semaphore(%arg11 : memref<!tpu.dma_semaphore, #tpu.memory_space<semaphore_mem>>) src(%arg7 : memref<128xf32, #tpu.memory_space<vmem>>) dst(%dma_wait3A_540 : memref<10240xf32, #tpu.memory_space<vmem_shared>>)
      %dma_wait3A_541 = arith.constant 0 : i32
      %dma_wait3A_542 = tpu.memref_slice %arg6[%add3A_400, %dma_wait3A_541] : memref<80x128xi32, #tpu.memory_space<vmem>> -> memref<1x128xi32, #tpu.memory_space<vmem>>
      %dma_wait3A_543 = tpu.memref_squeeze %dma_wait3A_542 : memref<1x128xi32, #tpu.memory_space<vmem>> -> memref<128xi32, #tpu.memory_space<vmem>>
      %dma_wait3A_544 = arith.constant 0 : i32
      %dma_wait3A_545 = tpu.memref_slice %arg9[%dma_wait3A_544] : memref<10240xf32, #tpu.memory_space<vmem_shared>> -> memref<10240xf32, #tpu.memory_space<vmem_shared>>
      tpu.wait_indirect_dma semaphore(%arg11 : memref<!tpu.dma_semaphore, #tpu.memory_space<semaphore_mem>>) src(%arg7 : memref<128xf32, #tpu.memory_space<vmem>>) dst(%dma_wait3A_545 : memref<10240xf32, #tpu.memory_space<vmem_shared>>)
      %dma_wait3A_546 = arith.constant 0 : i32
      %dma_wait3A_547 = tpu.memref_slice %arg6[%add3A_409, %dma_wait3A_546] : memref<80x128xi32, #tpu.memory_space<vmem>> -> memref<1x128xi32, #tpu.memory_space<vmem>>
      %dma_wait3A_548 = tpu.memref_squeeze %dma_wait3A_547 : memref<1x128xi32, #tpu.memory_space<vmem>> -> memref<128xi32, #tpu.memory_space<vmem>>
      %dma_wait3A_549 = arith.constant 0 : i32
      %dma_wait3A_550 = tpu.memref_slice %arg9[%dma_wait3A_549] : memref<10240xf32, #tpu.memory_space<vmem_shared>> -> memref<10240xf32, #tpu.memory_space<vmem_shared>>
      tpu.wait_indirect_dma semaphore(%arg11 : memref<!tpu.dma_semaphore, #tpu.memory_space<semaphore_mem>>) src(%arg7 : memref<128xf32, #tpu.memory_space<vmem>>) dst(%dma_wait3A_550 : memref<10240xf32, #tpu.memory_space<vmem_shared>>)
      %dma_wait3A_551 = arith.constant 0 : i32
      %dma_wait3A_552 = tpu.memref_slice %arg6[%add3A_418, %dma_wait3A_551] : memref<80x128xi32, #tpu.memory_space<vmem>> -> memref<1x128xi32, #tpu.memory_space<vmem>>
      %dma_wait3A_553 = tpu.memref_squeeze %dma_wait3A_552 : memref<1x128xi32, #tpu.memory_space<vmem>> -> memref<128xi32, #tpu.memory_space<vmem>>
      %dma_wait3A_554 = arith.constant 0 : i32
      %dma_wait3A_555 = tpu.memref_slice %arg9[%dma_wait3A_554] : memref<10240xf32, #tpu.memory_space<vmem_shared>> -> memref<10240xf32, #tpu.memory_space<vmem_shared>>
      tpu.wait_indirect_dma semaphore(%arg11 : memref<!tpu.dma_semaphore, #tpu.memory_space<semaphore_mem>>) src(%arg7 : memref<128xf32, #tpu.memory_space<vmem>>) dst(%dma_wait3A_555 : memref<10240xf32, #tpu.memory_space<vmem_shared>>)
      %dma_wait3A_556 = arith.constant 0 : i32
      %dma_wait3A_557 = tpu.memref_slice %arg6[%add3A_427, %dma_wait3A_556] : memref<80x128xi32, #tpu.memory_space<vmem>> -> memref<1x128xi32, #tpu.memory_space<vmem>>
      %dma_wait3A_558 = tpu.memref_squeeze %dma_wait3A_557 : memref<1x128xi32, #tpu.memory_space<vmem>> -> memref<128xi32, #tpu.memory_space<vmem>>
      %dma_wait3A_559 = arith.constant 0 : i32
      %dma_wait3A_560 = tpu.memref_slice %arg9[%dma_wait3A_559] : memref<10240xf32, #tpu.memory_space<vmem_shared>> -> memref<10240xf32, #tpu.memory_space<vmem_shared>>
      tpu.wait_indirect_dma semaphore(%arg11 : memref<!tpu.dma_semaphore, #tpu.memory_space<semaphore_mem>>) src(%arg7 : memref<128xf32, #tpu.memory_space<vmem>>) dst(%dma_wait3A_560 : memref<10240xf32, #tpu.memory_space<vmem_shared>>)
      %dma_wait3A_561 = arith.constant 0 : i32
      %dma_wait3A_562 = tpu.memref_slice %arg6[%add3A_436, %dma_wait3A_561] : memref<80x128xi32, #tpu.memory_space<vmem>> -> memref<1x128xi32, #tpu.memory_space<vmem>>
      %dma_wait3A_563 = tpu.memref_squeeze %dma_wait3A_562 : memref<1x128xi32, #tpu.memory_space<vmem>> -> memref<128xi32, #tpu.memory_space<vmem>>
      %dma_wait3A_564 = arith.constant 0 : i32
      %dma_wait3A_565 = tpu.memref_slice %arg9[%dma_wait3A_564] : memref<10240xf32, #tpu.memory_space<vmem_shared>> -> memref<10240xf32, #tpu.memory_space<vmem_shared>>
      tpu.wait_indirect_dma semaphore(%arg11 : memref<!tpu.dma_semaphore, #tpu.memory_space<semaphore_mem>>) src(%arg7 : memref<128xf32, #tpu.memory_space<vmem>>) dst(%dma_wait3A_565 : memref<10240xf32, #tpu.memory_space<vmem_shared>>)
      %dma_wait3A_566 = arith.constant 0 : i32
      %dma_wait3A_567 = tpu.memref_slice %arg6[%add3A_445, %dma_wait3A_566] : memref<80x128xi32, #tpu.memory_space<vmem>> -> memref<1x128xi32, #tpu.memory_space<vmem>>
      %dma_wait3A_568 = tpu.memref_squeeze %dma_wait3A_567 : memref<1x128xi32, #tpu.memory_space<vmem>> -> memref<128xi32, #tpu.memory_space<vmem>>
      %dma_wait3A_569 = arith.constant 0 : i32
      %dma_wait3A_570 = tpu.memref_slice %arg9[%dma_wait3A_569] : memref<10240xf32, #tpu.memory_space<vmem_shared>> -> memref<10240xf32, #tpu.memory_space<vmem_shared>>
      tpu.wait_indirect_dma semaphore(%arg11 : memref<!tpu.dma_semaphore, #tpu.memory_space<semaphore_mem>>) src(%arg7 : memref<128xf32, #tpu.memory_space<vmem>>) dst(%dma_wait3A_570 : memref<10240xf32, #tpu.memory_space<vmem_shared>>)
      %dma_wait3A_571 = arith.constant 0 : i32
      %dma_wait3A_572 = tpu.memref_slice %arg6[%add3A_454, %dma_wait3A_571] : memref<80x128xi32, #tpu.memory_space<vmem>> -> memref<1x128xi32, #tpu.memory_space<vmem>>
      %dma_wait3A_573 = tpu.memref_squeeze %dma_wait3A_572 : memref<1x128xi32, #tpu.memory_space<vmem>> -> memref<128xi32, #tpu.memory_space<vmem>>
      %dma_wait3A_574 = arith.constant 0 : i32
      %dma_wait3A_575 = tpu.memref_slice %arg9[%dma_wait3A_574] : memref<10240xf32, #tpu.memory_space<vmem_shared>> -> memref<10240xf32, #tpu.memory_space<vmem_shared>>
      tpu.wait_indirect_dma semaphore(%arg11 : memref<!tpu.dma_semaphore, #tpu.memory_space<semaphore_mem>>) src(%arg7 : memref<128xf32, #tpu.memory_space<vmem>>) dst(%dma_wait3A_575 : memref<10240xf32, #tpu.memory_space<vmem_shared>>)
      %dma_wait3A_576 = arith.constant 0 : i32
      %dma_wait3A_577 = tpu.memref_slice %arg6[%add3A_463, %dma_wait3A_576] : memref<80x128xi32, #tpu.memory_space<vmem>> -> memref<1x128xi32, #tpu.memory_space<vmem>>
      %dma_wait3A_578 = tpu.memref_squeeze %dma_wait3A_577 : memref<1x128xi32, #tpu.memory_space<vmem>> -> memref<128xi32, #tpu.memory_space<vmem>>
      %dma_wait3A_579 = arith.constant 0 : i32
      %dma_wait3A_580 = tpu.memref_slice %arg9[%dma_wait3A_579] : memref<10240xf32, #tpu.memory_space<vmem_shared>> -> memref<10240xf32, #tpu.memory_space<vmem_shared>>
      tpu.wait_indirect_dma semaphore(%arg11 : memref<!tpu.dma_semaphore, #tpu.memory_space<semaphore_mem>>) src(%arg7 : memref<128xf32, #tpu.memory_space<vmem>>) dst(%dma_wait3A_580 : memref<10240xf32, #tpu.memory_space<vmem_shared>>)
      %dma_wait3A_581 = arith.constant 0 : i32
      %dma_wait3A_582 = tpu.memref_slice %arg6[%add3A_472, %dma_wait3A_581] : memref<80x128xi32, #tpu.memory_space<vmem>> -> memref<1x128xi32, #tpu.memory_space<vmem>>
      %dma_wait3A_583 = tpu.memref_squeeze %dma_wait3A_582 : memref<1x128xi32, #tpu.memory_space<vmem>> -> memref<128xi32, #tpu.memory_space<vmem>>
      %dma_wait3A_584 = arith.constant 0 : i32
      %dma_wait3A_585 = tpu.memref_slice %arg9[%dma_wait3A_584] : memref<10240xf32, #tpu.memory_space<vmem_shared>> -> memref<10240xf32, #tpu.memory_space<vmem_shared>>
      tpu.wait_indirect_dma semaphore(%arg11 : memref<!tpu.dma_semaphore, #tpu.memory_space<semaphore_mem>>) src(%arg7 : memref<128xf32, #tpu.memory_space<vmem>>) dst(%dma_wait3A_585 : memref<10240xf32, #tpu.memory_space<vmem_shared>>)
      %dma_wait3A_586 = arith.constant 0 : i32
      %dma_wait3A_587 = tpu.memref_slice %arg6[%add3A_481, %dma_wait3A_586] : memref<80x128xi32, #tpu.memory_space<vmem>> -> memref<1x128xi32, #tpu.memory_space<vmem>>
      %dma_wait3A_588 = tpu.memref_squeeze %dma_wait3A_587 : memref<1x128xi32, #tpu.memory_space<vmem>> -> memref<128xi32, #tpu.memory_space<vmem>>
      %dma_wait3A_589 = arith.constant 0 : i32
      %dma_wait3A_590 = tpu.memref_slice %arg9[%dma_wait3A_589] : memref<10240xf32, #tpu.memory_space<vmem_shared>> -> memref<10240xf32, #tpu.memory_space<vmem_shared>>
      tpu.wait_indirect_dma semaphore(%arg11 : memref<!tpu.dma_semaphore, #tpu.memory_space<semaphore_mem>>) src(%arg7 : memref<128xf32, #tpu.memory_space<vmem>>) dst(%dma_wait3A_590 : memref<10240xf32, #tpu.memory_space<vmem_shared>>)
      %dma_wait3A_591 = arith.constant 0 : i32
      %dma_wait3A_592 = tpu.memref_slice %arg6[%add3A_490, %dma_wait3A_591] : memref<80x128xi32, #tpu.memory_space<vmem>> -> memref<1x128xi32, #tpu.memory_space<vmem>>
      %dma_wait3A_593 = tpu.memref_squeeze %dma_wait3A_592 : memref<1x128xi32, #tpu.memory_space<vmem>> -> memref<128xi32, #tpu.memory_space<vmem>>
      %dma_wait3A_594 = arith.constant 0 : i32
      %dma_wait3A_595 = tpu.memref_slice %arg9[%dma_wait3A_594] : memref<10240xf32, #tpu.memory_space<vmem_shared>> -> memref<10240xf32, #tpu.memory_space<vmem_shared>>
      tpu.wait_indirect_dma semaphore(%arg11 : memref<!tpu.dma_semaphore, #tpu.memory_space<semaphore_mem>>) src(%arg7 : memref<128xf32, #tpu.memory_space<vmem>>) dst(%dma_wait3A_595 : memref<10240xf32, #tpu.memory_space<vmem_shared>>)
    }
    %scan3A_304 = arith.constant 4 : i32
    %barrier3A_305 = arith.constant 0 : index
    tpu.barrier barrier_id(%barrier3A_305)
    %eq3A_306 = arith.constant 0 : i32
    %eq3A_307 = arith.cmpi eq, %arg0, %eq3A_306 : i32
    %convert_element_type3A_308 = arith.extui %eq3A_307 : i1 to i32
    %cond3A_309 = arith.constant 0 : i32
    %cond3A_310 = arith.cmpi ne, %convert_element_type3A_308, %cond3A_309 : i32
    scf.if %cond3A_310 {
      %mul3A_316 = arith.constant 640 : i32
      %mul3A_317 = arith.muli %arg1, %mul3A_316 : i32
      %mul3A_318 = arith.constant 640 : i32
      %mul3A_319 = arith.muli %arg1, %mul3A_318 : i32
      "tpu.region"() ({
        %run_scoped3A = tpu.sem_alloc : memref<!tpu.dma_semaphore, #tpu.memory_space<semaphore_mem>>
        %dma_start3A = tpu.memref_slice %arg4[%mul3A_319] : memref<10240xf32, #tpu.memory_space<hbm>> -> memref<640xf32, #tpu.memory_space<hbm>>
        %dma_start3A_320 = tpu.memref_slice %arg9[%mul3A_317] : memref<10240xf32, #tpu.memory_space<vmem_shared>> -> memref<640xf32, #tpu.memory_space<vmem_shared>>
        tpu.enqueue_dma source(%dma_start3A_320 : memref<640xf32, #tpu.memory_space<vmem_shared>>) target(%dma_start3A : memref<640xf32, #tpu.memory_space<hbm>>) target_semaphore(%run_scoped3A : memref<!tpu.dma_semaphore, #tpu.memory_space<semaphore_mem>>)
        %dma_wait3A_321 = tpu.memref_slice %arg4[%mul3A_319] : memref<10240xf32, #tpu.memory_space<hbm>> -> memref<640xf32, #tpu.memory_space<hbm>>
        %dma_wait3A_322 = tpu.memref_slice %arg9[%mul3A_317] : memref<10240xf32, #tpu.memory_space<vmem_shared>> -> memref<640xf32, #tpu.memory_space<vmem_shared>>
        tpu.wait_dma2 semaphore(%run_scoped3A : memref<!tpu.dma_semaphore, #tpu.memory_space<semaphore_mem>>) src(%dma_wait3A_322 : memref<640xf32, #tpu.memory_space<vmem_shared>>) dst(%dma_wait3A_321 : memref<640xf32, #tpu.memory_space<hbm>>)
        tpu.yield
      }) : () -> ()
    } else {
    }
    %eq3A_311 = arith.constant 1 : i32
    %eq3A_312 = arith.cmpi eq, %arg0, %eq3A_311 : i32
    %convert_element_type3A_313 = arith.extui %eq3A_312 : i1 to i32
    %cond3A_314 = arith.constant 0 : i32
    %cond3A_315 = arith.cmpi ne, %convert_element_type3A_313, %cond3A_314 : i32
    scf.if %cond3A_315 {
      %mul3A_316 = arith.constant 640 : i32
      %mul3A_317 = arith.muli %arg1, %mul3A_316 : i32
      %mul3A_318 = arith.constant 640 : i32
      %mul3A_319 = arith.muli %arg1, %mul3A_318 : i32
      "tpu.region"() ({
        %run_scoped3A = tpu.sem_alloc : memref<!tpu.dma_semaphore, #tpu.memory_space<semaphore_mem>>
        %dma_start3A = tpu.memref_slice %arg5[%mul3A_319] : memref<10240xf32, #tpu.memory_space<hbm>> -> memref<640xf32, #tpu.memory_space<hbm>>
        %dma_start3A_320 = tpu.memref_slice %arg9[%mul3A_317] : memref<10240xf32, #tpu.memory_space<vmem_shared>> -> memref<640xf32, #tpu.memory_space<vmem_shared>>
        tpu.enqueue_dma source(%dma_start3A_320 : memref<640xf32, #tpu.memory_space<vmem_shared>>) target(%dma_start3A : memref<640xf32, #tpu.memory_space<hbm>>) target_semaphore(%run_scoped3A : memref<!tpu.dma_semaphore, #tpu.memory_space<semaphore_mem>>)
        %dma_wait3A_321 = tpu.memref_slice %arg5[%mul3A_319] : memref<10240xf32, #tpu.memory_space<hbm>> -> memref<640xf32, #tpu.memory_space<hbm>>
        %dma_wait3A_322 = tpu.memref_slice %arg9[%mul3A_317] : memref<10240xf32, #tpu.memory_space<vmem_shared>> -> memref<640xf32, #tpu.memory_space<vmem_shared>>
        tpu.wait_dma2 semaphore(%run_scoped3A : memref<!tpu.dma_semaphore, #tpu.memory_space<semaphore_mem>>) src(%dma_wait3A_322 : memref<640xf32, #tpu.memory_space<vmem_shared>>) dst(%dma_wait3A_321 : memref<640xf32, #tpu.memory_space<hbm>>)
        tpu.yield
      }) : () -> ()
    } else {
    }
    return
  }
}

module attributes {stable_mosaic.version = 14 : i64} {
  func.func @_mask_mul_kernel(%arg0: i32, %arg1: memref<5120xf32, #tpu.memory_space<vmem>>, %arg2: memref<5120xf32, #tpu.memory_space<vmem>>, %arg3: memref<5120x128xf32, #tpu.memory_space<vmem>>, %arg4: memref<5120x128xf32, #tpu.memory_space<vmem>>) attributes {dimension_semantics = [#tpu.dimension_semantics<arbitrary>], iteration_bounds = array<i64: 2>, scalar_prefetch = 0 : i64, scratch_operands = 0 : i64, tpu.core_type = #tpu.core_type<tc>, window_params = [{transform_indices = @transform_0, window_bounds = array<i64: 5120>}, {transform_indices = @transform_1, window_bounds = array<i64: 5120>}, {transform_indices = @transform_2, window_bounds = array<i64: 5120, 128>}, {transform_indices = @transform_3, window_bounds = array<i64: 5120, 128>}]} {
    %get3A = arith.constant 0 : index
    %get3A_0 = vector.load %arg1[%get3A] : memref<5120xf32, #tpu.memory_space<vmem>>, vector<5120xf32>
    %get3A_1 = arith.constant 0 : index
    %get3A_2 = vector.load %arg2[%get3A_1] : memref<5120xf32, #tpu.memory_space<vmem>>, vector<5120xf32>
    %add3A = arith.addf %get3A_0, %get3A_2 : vector<5120xf32>
    %gt3A = arith.constant 0.000000e+00 : f32
    %gt3A_3 = vector.broadcast %gt3A : f32 to vector<5120xf32>
    %gt3A_4 = arith.cmpf ogt, %add3A, %gt3A_3 : vector<5120xf32>
    %convert_element_type3A = arith.extui %gt3A_4 : vector<5120xi1> to vector<5120xi32>
    %convert_element_type3A_5 = arith.sitofp %convert_element_type3A : vector<5120xi32> to vector<5120xf32>
    %broadcast_in_dim3A = vector.shape_cast %convert_element_type3A_5 : vector<5120xf32> to vector<5120x1xf32>
    %broadcast_in_dim3A_6 = vector.broadcast %broadcast_in_dim3A : vector<5120x1xf32> to vector<5120x128xf32>
    %get3A_7 = arith.constant 0 : index
    %get3A_8 = arith.constant 0 : index
    %get3A_9 = vector.load %arg3[%get3A_7, %get3A_8] : memref<5120x128xf32, #tpu.memory_space<vmem>>, vector<5120x128xf32>
    %mul3A = arith.mulf %get3A_9, %broadcast_in_dim3A_6 : vector<5120x128xf32>
    %swap3A = arith.constant 0 : index
    %swap3A_10 = arith.constant 0 : index
    %swap3A_11 = vector.load %arg4[%swap3A, %swap3A_10] : memref<5120x128xf32, #tpu.memory_space<vmem>>, vector<5120x128xf32>
    tpu.vector_store %arg4[%swap3A, %swap3A_10], %mul3A {strides = array<i32>} : memref<5120x128xf32, #tpu.memory_space<vmem>>, vector<5120x128xf32>,
    return
  }
  func.func @transform_0(%arg0: i32) -> i32 {
    %c0_i32 = arith.constant 0 : i32
    return %arg0 : i32
  }
  func.func @transform_1(%arg0: i32) -> i32 {
    %c0_i32 = arith.constant 0 : i32
    return %arg0 : i32
  }
  func.func @transform_2(%arg0: i32) -> (i32, i32) {
    %c0_i32 = arith.constant 0 : i32
    %c0_i32_0 = arith.constant 0 : i32
    return %arg0, %c0_i32 : i32, i32
  }
  func.func @transform_3(%arg0: i32) -> (i32, i32) {
    %c0_i32 = arith.constant 0 : i32
    %c0_i32_0 = arith.constant 0 : i32
    return %arg0, %c0_i32 : i32, i32
  }
}

</mosaic_0001>

<sc_bundles>
// kernel: kernel.4.cloned.1.call-start
scs
__scs_entry_jumppad:
0x0: {  	(pc) =	sbr.rel $0x88, $3  }
0x1: {  	(tag) =	ssettag $0x0;
	lr =	simm.s32 $0x1  }
0x2: {  	[smem:$0x3F9F] =	sst lr;
	_ =	strace $0xD0000000  }
0x3: {  	_ = 	snop  }
0x4: {  	_ = 	snop  }
0x5: {  	_ = 	snop  }
0x6: {  	_ = 	snop  }
0x7: {  	_ = 	snop  }
__scs_overlays_trampoline_lowered:
0x8: {  	[smem:$0x3FAE] =	sst s0  }
0x9: {  	[smem:$0x3FAF] =	sst s1  }
0xa: {  	[smem:$0x3FB0] =	sst s2  }
0xb: {  	[smem:$0x3FB1] =	sst s3  }
0xc: {  	[smem:$0x3FB2] =	sst s4  }
0xd: {  	[smem:$0x3FB3] =	sst s5  }
0xe: {  	[smem:$0x3FB4] =	sst s6  }
0xf: {  	[smem:$0x3FB5] =	sst s7  }
0x10: {  	[smem:$0x3FB6] =	sst s8  }
0x11: {  	[smem:$0x3FB7] =	sst s9;
	s0 =	simm.s32 @!p0 $0x0  }
0x12: {  	s1 =	sld [smem:$0x3F9D];
	s0 =	simm.s32 @p0 $0x1  }
0x13: {  	[smem:$0x3FB8] =	sst s0;
	s0 =	simm.s32 @!p1 $0x0  }
0x14: {  	s2 =	sld [smem:$0x3F9C];
	s0 =	simm.s32 @p1 $0x1  }
0x15: {  	[smem:$0x3FB9] =	sst s0;
	s0 =	simm.s32 @!p2 $0x0  }
0x16: {  	s3 =	sld [smem:$0x3FDB];
	s0 =	simm.s32 @p2 $0x1  }
0x17: {  	s4 =	simm.s32 $0x1BF5;
	[smem:$0x3FBB] =	sst s0  }
0x18: {  	s0 =	sld [smem:$0x3F9E];
	_ =	swait.ge [sflag:s4], $0x0  }
0x19: {  	s7 =	sld [smem:$0x3F9F]  }
0x1a: {  	s8 =	sadd.s32 $0xFFFFE003, lr  }
0x1b: {  	s9 =	sadd.s32 $0xFFFFFEF7, lr;
	s5 =	simm.s32 $0xFFFFFFFF;
	p2 =	slt.u32 s8, $0xFFFFF086  }
0x1c: {  	p1 =	slt.u32 s9, $0xF7A;
	s5 =	simm.s32 @!p2 $0x0  }
0x1d: {  	s5 =	simm.s32 @p1 $0x1;
	p0 =	seq.s32 s7, s2  }
0x1e: {  	s7 =	smul.u32 @!p0 $0xF7A, s2;
	p2 =	seq.s32 @!p0 s5, $0x0  }
0x1f: {  	s9 =	smul.u32 $0xF7A, s1;
	s8 =	simm.s32 @!p0 $0x1BF5;
	p2 =	por !p2, p0  }
0x20: {  	[sflag:s8] =	ssyncset.s32 @!p0 $0xFFFFF086;
	s6 =	sadd.s32 @!p0 s3, s7;
	s7 =	simm.s32 @!p0 $0x108  }
0x21: {  	s3 =	sadd.s32 s3, s9;
	s6 =	sadd.s32 @!p0 $0x88, s6;
	s7 =	simm.s32 @p2 $0x1082  }
0x22: {  	[simem:s7], [sflag:s8] =	dma.local @!p0 [hbm:s6], $0xF7A  }
0x23: {  	s9 =	sor.u32 $0xD0000000, s2;
	s6 =	simm.s32 $0x108;
	_ =	swait.ge @!p0 [sflag:s8], $0x0  }
0x24: {  	s3 =	sadd.s32 $0x88, s3;
	s6 =	simm.s32 @!p1 $0x1082;
	[sflag:s4] =	ssyncset.s32 $0xFFFFF086  }
0x25: {  	[simem:s6], [sflag:s4] =	dma.local [hbm:s3], $0xF7A  }
0x26: {  	[smem:$0x3F9F] =	sst s1;
	(tag) =	ssettag s2;
	_ =	strace s9  }
0x27: {  	s1 =	sld [smem:$0x3FAF]  }
0x28: {  	s2 =	sld [smem:$0x3FB0]  }
0x29: {  	s4 =	sld [smem:$0x3FB2]  }
0x2a: {  	p0 =	seq.s32 s5, $0x0;
	s5 =	sld [smem:$0x3FB3]  }
0x2b: {  	s6 =	sld [smem:$0x3FB4]  }
0x2c: {  	s7 =	sld [smem:$0x3FB5]  }
0x2d: {  	s3 =	simm.s32 $0x108;
	s8 =	sld [smem:$0x3FB6]  }
0x2e: {  	s3 =	simm.s32 @!p0 $0x1082;
	s9 =	sld [smem:$0x3FB7]  }
0x2f: {  	lr =	sadd.s32 s0, s3;
	s0 =	sld [smem:$0x3FAE]  }
0x30: {  	s3 =	sld [smem:$0x3FB1]  }
0x31: {  	[smem:$0x3FBA] =	sst s10  }
0x32: {  	s10 =	sld [smem:$0x3FB8];
	_ =	sdelay $0x3  }
0x33: {  	p0 =	seq.s32 s10, $0x1;
	s10 =	sld [smem:$0x3FBA];
	_ =	sdelay $0x3  }
0x34: {  	[smem:$0x3FBA] =	sst s10  }
0x35: {  	s10 =	sld [smem:$0x3FB9];
	_ =	sdelay $0x3  }
0x36: {  	p1 =	seq.s32 s10, $0x1;
	s10 =	sld [smem:$0x3FBA];
	_ =	sdelay $0x3  }
0x37: {  	[smem:$0x3FBA] =	sst s10  }
0x38: {  	s10 =	sld [smem:$0x3FBB]  }
0x39: {  	_ = 	snop;
	(pc) =	sbr.ind lr, $3  }
0x3a: {  	_ = 	snop  }
0x3b: {  	_ = 	snop  }
0x3c: {  	p2 =	seq.s32 s10, $0x1;
	s10 =	sld [smem:$0x3FBA]  }
0x3d: {  	_ =	shalt  }
0x3e: {  	_ =	shalt  }
0x3f: {  	_ =	shalt  }
0x40: {  	_ =	shalt  }
0x41: {  	_ =	shalt  }
0x42: {  	_ =	shalt  }
0x43: {  	_ =	shalt  }
0x44: {  	_ =	shalt  }
0x45: {  	_ =	shalt  }
0x46: {  	_ =	shalt  }
0x47: {  	_ =	shalt  }
0x48: {  	_ =	shalt  }
0x49: {  	_ =	shalt  }
0x4a: {  	_ =	shalt  }
0x4b: {  	_ =	shalt  }
0x4c: {  	_ =	shalt  }
0x4d: {  	_ =	shalt  }
0x4e: {  	_ =	shalt  }
0x4f: {  	_ =	shalt  }
0x50: {  	_ =	shalt  }
0x51: {  	_ =	shalt  }
0x52: {  	_ =	shalt  }
0x53: {  	_ =	shalt  }
0x54: {  	_ =	shalt  }
0x55: {  	_ =	shalt  }
0x56: {  	_ =	shalt  }
0x57: {  	_ =	shalt  }
0x58: {  	_ =	shalt  }
0x59: {  	_ =	shalt  }
0x5a: {  	_ =	shalt  }
0x5b: {  	_ =	shalt  }
0x5c: {  	_ =	shalt  }
0x5d: {  	_ =	shalt  }
0x5e: {  	_ =	shalt  }
0x5f: {  	_ =	shalt  }
0x60: {  	_ =	shalt  }
0x61: {  	_ =	shalt  }
0x62: {  	_ =	shalt  }
0x63: {  	_ =	shalt  }
0x64: {  	_ =	shalt  }
0x65: {  	_ =	shalt  }
0x66: {  	_ =	shalt  }
0x67: {  	_ =	shalt  }
0x68: {  	_ =	shalt  }
0x69: {  	_ =	shalt  }
0x6a: {  	_ =	shalt  }
0x6b: {  	_ =	shalt  }
0x6c: {  	_ =	shalt  }
0x6d: {  	_ =	shalt  }
0x6e: {  	_ =	shalt  }
0x6f: {  	_ =	shalt  }
0x70: {  	_ =	shalt  }
0x71: {  	_ =	shalt  }
0x72: {  	_ =	shalt  }
0x73: {  	_ =	shalt  }
0x74: {  	_ =	shalt  }
0x75: {  	_ =	shalt  }
0x76: {  	_ =	shalt  }
0x77: {  	_ =	shalt  }
0x78: {  	_ =	shalt  }
0x79: {  	_ =	shalt  }
0x7a: {  	_ =	shalt  }
0x7b: {  	_ =	shalt  }
0x7c: {  	_ =	shalt  }
0x7d: {  	_ =	shalt  }
0x7e: {  	_ =	shalt  }
0x7f: {  	_ =	shalt  }
0x80: {  	_ =	shalt  }
0x81: {  	_ =	shalt  }
0x82: {  	_ =	shalt  }
0x83: {  	_ =	shalt  }
0x84: {  	_ =	shalt  }
0x85: {  	_ =	shalt  }
0x86: {  	_ =	shalt  }
0x87: {  	_ =	shalt  }
.Lfunc_end0:
.L_simem_size_0:
called_computation_lowered:
.L_overlay_start_0:
0x88: {  	s2 =	sld [smem:$0x3FD9]  }
0x89: {  	s3 =	sld [smem:$0x3FFE];
	_ =	sdelay $0x1  }
0x8a: {  	s1 =	srdreg.scid  }
0x8b: {  	s0 =	sand.u32 $0x1, s1  }
0x8c: {  	s17 =	sshll.u32 s0, $0xA;
	s2 =	sadd.s32 s3, s2  }
0x8d: {  	s2 =	sadd.s32 s2, s17  }
0x8e: {  	[smem:$0x3FC6] =	sst s2  }
0x8f: {  	_ = 	snop  }
0x90: {  	s2 =	sld [smem:$0x3FC8]  }
0x91: {  	s18 =	sld [smem:$0x3FD0];
	(tm) =	ssettm $0x1  }
0x92: {  	s4 =	sld [smem:$0x3FFB];
	_ =	sdelay $0x3  }
0x93: {  	_ =	strace s4  }
0x94: {  	s4 =	sld [smem:$0x3FFC];
	_ =	sdelay $0x3  }
0x95: {  	_ =	strace s4  }
0x96: {  	s4 =	sld [smem:$0x3FFD];
	_ =	sdelay $0x3  }
0x97: {  	_ =	strace s4  }
0x98: {  	_ =	strace $0x8FFFFFFF  }
0x99: {  	s19 =	sld [smem:$0x3FDB];
	_ =	sdelay $0x1  }
0x9a: {  	s5 =	simm.s32 $_scs_section_size  }
0x9b: {  	s6 =	simm.s32 $_size__tile_overlayer_lowered;
	s7 =	simm.s32 $_tile_overlayer_lowered  }
0x9c: {  	s22 =	simm.s32 $0x1BFF;
	s21 =	sshll.u32 s7, $0x1;
	s4 =	sadd.s32 s5, s19  }
0x9d: {  	s8 =	simm.s32 $0x0;
	s20 =	sshll.u32 s6, $0x1;
	s6 =	sadd.s32 s21, s4  }
0x9e: {  	[timem:s8], [sflag:s22] =	dma.local [hbm:s6], s20  }
0x9f: {  	_ =	swait.ge [sflag:s22], s20  }
0xa0: {  	s5 =	ssub.s32 $0x0, s20;
	[sflag:s22] =	ssyncset.done $0x0  }
0xa1: {  	[sflag:s22] =	ssyncadd.s32 s5;
	_ =	sdelay $0x1  }
0xa2: {  	s23 =	simm.s32 $0x1B8B  }
0xa3: {  	_ =	swait.ge [sflag:s23], $0x1  }
0xa4: {  	[sflag:s23] =	ssyncset.done $0x0  }
0xa5: {  	s25 =	simm.s32 $0x1B8E;
	s24 =	sld [smem:$0x3FFE];
	[sflag:s23] =	ssyncadd.s32 $0xFFFFFFFF  }
0xa6: {  	s26 =	simm.s32 $execute0_lowered;
	[smem:$0x3FD2] =	sst s25  }
0xa7: {  	s6 =	sshll.u32 s26, $0x1;
	_ =	strace $0x80000046;
	[dreg:$0x1] =	wrdreg $0xFFFFFFFF  }
0xa8: {  	s28 =	simm.s32 $_size_execute0_lowered;
	s4 =	sadd.s32 s4, s6;
	[dreg:$0x0] =	wrdreg $0x0  }
0xa9: {  	s6 =	sshll.u32 s28, $0x1;
	[dreg:$0x2] =	wrdreg s4  }
0xaa: {  	[dreg:$0x3] =	wrdreg s6  }
0xab: {  	[dreg:$0x4] =	wrdreg $0xC0  }
0xac: {  	_ =	task [dreg:s8], $0x5FFFF  }
0xad: {  	[dreg:$0x1] =	wrdreg $0xFFFFFFFF  }
0xae: {  	[dreg:$0x0] =	wrdreg $0x60  }
0xaf: {  	[dreg:$0x2] =	wrdreg s2  }
0xb0: {  	[dreg:$0x3] =	wrdreg s24  }
0xb1: {  	[dreg:$0x4] =	wrdreg s18  }
0xb2: {  	[dreg:$0x5] =	wrdreg $0x2B000  }
0xb3: {  	[dreg:$0x6] =	wrdreg $0x9  }
0xb4: {  	_ =	task.clear_ibuf [dreg:s8], $0x7FFFF;
	_ =	strace $0x90000046  }
0xb5: {  	s29 =	simm.s32 $0x9;
	_ =	strace $0x80000048  }
0xb6: {  	_ =	swait.ge [sflag:s29], $0x1  }
0xb7: {  	[sflag:s29] =	ssyncadd.s32 $0xFFFFFFFF  }
0xb8: {  	_ =	strace $0x90000048  }
0xb9: {  	_ =	sfence  }
0xba: {  	s30 =	sld [smem:$0x0];
	_ =	sdelay $0x2  }
0xbb: {  	s31 =	sshll.u32 s1, $0xD;
	s1 =	sshrl.u32 s1, $0x2  }
0xbc: {  	s3 =	sand.u32 $0x4000, s31;
	s1 =	sadd.s32 s1, s30  }
0xbd: {  	s0 =	sor.u32 s3, s0;
	s1 =	sshll.u32 s1, $0x11  }
0xbe: {  	s0 =	sor.u32 s1, s0  }
0xbf: {  	s0 =	sadd.s32 $0x8F2B, s0  }
0xc0: {  	[sflag:s0] =	ssyncadd.remote.s32 $0x1  }
0xc1: {  	_ =	sfence.sel $0xFFFF  }
0xc2: {  	[dreg:$0x0] =	wrdreg $0xFFFFFFFF;
	(pc) =	sbr.abs _section_cstart, $3  }
0xc3: {  	[dreg:$0x1] =	wrdreg $0xFFFFFFFF  }
0xc4: {  	_ =	task.clear_ibuf [dreg:s8], $0x2FFFF;
	_ =	strace $0x9FFFFFFF  }
0xc5: {  	(tm) =	ssettm $0x7FFFFFFF  }
tec
execute0_lowered:
.L_overlay_start_1:
0x0: {  	(tag) =	ssettag $0x1  }
0x1: {  	s6 =	rddreg [dreg:$0x0]  }
0x2: {  	s5 =	rddreg [dreg:$0x1]  }
0x3: {  	s9 =	rddreg [dreg:$0x2]  }
0x4: {  	s1 =	rddreg [dreg:$0x3];
	s2 =	srdreg.scid  }
0x5: {  	s0 =	rddreg [dreg:$0x4];
	s3 =	simm.s32 $0x0;
	s14 =	simm.s32 $0x2800  }
0x6: {  	s15 =	simm.s32 $0x2;
	s7 =	sand.u32 $0x1, s2;
	[smem:$0x7FF] =	sst s3  }
0x7: {  	s2 =	stileid.u32;
	s13 =	sadd.s32 $0x1200, s5;
	s4 =	sshll.u32 s7, $0x4  }
0x8: {  	_ =	strace $0x80000047;
	s8 =	ssub.s32 $0x2, s7;
	s31 =	smul.u32 $0x280, s2  }
0x9: {  	p0 =	seq.s32 s7, $0x1;
	s16 =	sshll.u32 s2, $0x6;
	s10 =	sor.u32 s2, s4  }
0xa: {  	s4 =	sadd.s32 $0xE00, s5;
	s11 =	sshrl.u32 s8, $0x1;
	s9 =	smov.u32 @p0 s13  }
0xb: {  	s13 =	simm.s32 $0x80;
	s16 =	sor.u32 $0x1C03, s16;
	s12 =	smul.u32 $0x500, s10  }
0xc: {  	s8 =	ssub.s32 s8, s11;
	s7 =	sadd.s32 s31, s1;
	s11 =	sshrl.u32 s31, $0x3  }
0xd: {  	p0 =	seq.s32 s10, $0x1F;
	s10 =	simm.s32 $0x2880;
	s8 =	smax.u32 s8, $0x1  }
0xe: {  	s9 =	sadd.s32 s9, s11;
	s11 =	simm.s32 $0x3;
	s17 =	sshrl.u32 s7, $0x3  }
0xf: {  	v0 =	vimm.f32 $1.000000000e+00;
	v1 =	vimm.f32 $0.0e+00;
	s5 =	sadd.s32 s6, s12;
	s6 =	sadd.s32 $0x9B00, s6;
	s12 =	simm.s32 $0x1  }
.LBB2_1:
0x10: {  	s18 =	simm.s32 @p0 $0x0  }
0x11: {  	[tilespmem:s18], [sflag:$0x1] =	stream.linear.gather @p0 [hbm4b:s6+s18], $0x800, $0x38;
	[tilespmem:$0x2D80] =	vst v63  }
0x12: {  	s19 =	simm.s32 @p0 $0x800  }
0x13: {  	[tilespmem:s19], [sflag:$0x1] =	stream.linear.gather @p0 [hbm4b:s4+s18], $0x2000, $0x38;
	[tilespmem:$0x2D80] =	vst v63  }
0x14: {  	s18 =	simm.s32 @!p0 $0x0  }
0x15: {  	[tilespmem:s18], [sflag:$0x1] =	stream.linear.gather @!p0 [hbm4b:s5+s18], $0x2800, $0x38;
	[tilespmem:$0x2D80] =	vst v63  }
0x16: {  	[tilespmem:$0x2800] =	vst v0  }
0x17: {  	[tilespmem:$0x2810] =	vst v0  }
0x18: {  	[tilespmem:$0x2820] =	vst v0  }
0x19: {  	[tilespmem:$0x2830] =	vst v0  }
0x1a: {  	[tilespmem:$0x2840] =	vst v0  }
0x1b: {  	[tilespmem:$0x2850] =	vst v0  }
0x1c: {  	[tilespmem:$0x2860] =	vst v0  }
0x1d: {  	[tilespmem:$0x2870] =	vst v0  }
0x1e: {  	[tilespmem:$0x2880] =	vst v1  }
0x1f: {  	[tilespmem:$0x2890] =	vst v1  }
0x20: {  	[tilespmem:$0x28A0] =	vst v1  }
0x21: {  	[tilespmem:$0x28B0] =	vst v1  }
0x22: {  	[tilespmem:$0x28C0] =	vst v1  }
0x23: {  	[tilespmem:$0x28D0] =	vst v1  }
0x24: {  	[tilespmem:$0x28E0] =	vst v1  }
0x25: {  	[tilespmem:$0x28F0] =	vst v1  }
0x26: {  	[tilespmem:$0x2900] =	vst v1  }
0x27: {  	[tilespmem:$0x2910] =	vst v1  }
0x28: {  	[tilespmem:$0x2920] =	vst v1  }
0x29: {  	[tilespmem:$0x2930] =	vst v1  }
0x2a: {  	[tilespmem:$0x2940] =	vst v1  }
0x2b: {  	[tilespmem:$0x2950] =	vst v1  }
0x2c: {  	[tilespmem:$0x2960] =	vst v1  }
0x2d: {  	[tilespmem:$0x2970] =	vst v1  }
0x2e: {  	[tilespmem:$0x2980] =	vst v1  }
0x2f: {  	[tilespmem:$0x2990] =	vst v1  }
0x30: {  	[tilespmem:$0x29A0] =	vst v1  }
0x31: {  	[tilespmem:$0x29B0] =	vst v1  }
0x32: {  	[tilespmem:$0x29C0] =	vst v1  }
0x33: {  	[tilespmem:$0x29D0] =	vst v1  }
0x34: {  	[tilespmem:$0x29E0] =	vst v1  }
0x35: {  	[tilespmem:$0x29F0] =	vst v1  }
0x36: {  	[tilespmem:$0x2A00] =	vst v1  }
0x37: {  	[tilespmem:$0x2A10] =	vst v1  }
0x38: {  	[tilespmem:$0x2A20] =	vst v1  }
0x39: {  	[tilespmem:$0x2A30] =	vst v1  }
0x3a: {  	[tilespmem:$0x2A40] =	vst v1  }
0x3b: {  	[tilespmem:$0x2A50] =	vst v1  }
0x3c: {  	[tilespmem:$0x2A60] =	vst v1  }
0x3d: {  	[tilespmem:$0x2A70] =	vst v1  }
0x3e: {  	[tilespmem:$0x2A80] =	vst v1  }
0x3f: {  	[tilespmem:$0x2A90] =	vst v1  }
0x40: {  	[tilespmem:$0x2AA0] =	vst v1  }
0x41: {  	[tilespmem:$0x2AB0] =	vst v1  }
0x42: {  	[tilespmem:$0x2AC0] =	vst v1  }
0x43: {  	[tilespmem:$0x2AD0] =	vst v1  }
0x44: {  	[tilespmem:$0x2AE0] =	vst v1  }
0x45: {  	[tilespmem:$0x2AF0] =	vst v1  }
0x46: {  	[spmem:s7] =	stream.linear.scatter [tilespmem:s10], [sflag:$0x3], $0x280, $0x38;
	[tilespmem:$0x2D80] =	vst v63  }
0x47: {  	_ =	swait.ge [sflag:s11], $0x280  }
0x48: {  	[sflag:s11] =	ssyncset.done $0x0  }
0x49: {  	[sflag:s11] =	ssyncadd.s32 $0xFFFFFD80  }
0x4a: {  	_ =	swait.ge [sflag:s12], $0x2800  }
0x4b: {  	[sflag:s12] =	ssyncset.done $0x0  }
0x4c: {  	[sflag:s12] =	ssyncadd.s32 $0xFFFFD800  }
0x4d: {  	s23 =	simm.s32 $0x0;
	[bflag:$0x0] =	sbarrier.arrive $0xFFFF  }
0x4e: {  	[spmem:s1] =	stream.indirect.scatter.add.f32 [tilespmem:s14], [sflag:$0x2], $0x1, s23, s13, $0xb8;
	[tilespmem:$0x2D80] =	vst v63  }
0x4f: {  	s24 =	simm.s32 $0x80  }
0x50: {  	[spmem:s1] =	stream.indirect.scatter.add.f32 [tilespmem:s14], [sflag:$0x2], $0x1, s24, s13, $0xb8;
	[tilespmem:$0x2D80] =	vst v63  }
0x51: {  	s25 =	simm.s32 $0x100  }
0x52: {  	[spmem:s1] =	stream.indirect.scatter.add.f32 [tilespmem:s14], [sflag:$0x2], $0x1, s25, s13, $0xb8;
	[tilespmem:$0x2D80] =	vst v63  }
0x53: {  	s26 =	simm.s32 $0x180  }
0x54: {  	[spmem:s1] =	stream.indirect.scatter.add.f32 [tilespmem:s14], [sflag:$0x2], $0x1, s26, s13, $0xb8;
	[tilespmem:$0x2D80] =	vst v63  }
0x55: {  	s28 =	simm.s32 $0x200  }
0x56: {  	[spmem:s1] =	stream.indirect.scatter.add.f32 [tilespmem:s14], [sflag:$0x2], $0x1, s28, s13, $0xb8;
	[tilespmem:$0x2D80] =	vst v63  }
0x57: {  	s29 =	simm.s32 $0x280  }
0x58: {  	[spmem:s1] =	stream.indirect.scatter.add.f32 [tilespmem:s14], [sflag:$0x2], $0x1, s29, s13, $0xb8;
	[tilespmem:$0x2D80] =	vst v63  }
0x59: {  	s30 =	simm.s32 $0x300  }
0x5a: {  	[spmem:s1] =	stream.indirect.scatter.add.f32 [tilespmem:s14], [sflag:$0x2], $0x1, s30, s13, $0xb8;
	[tilespmem:$0x2D80] =	vst v63  }
0x5b: {  	s31 =	simm.s32 $0x380  }
0x5c: {  	[spmem:s1] =	stream.indirect.scatter.add.f32 [tilespmem:s14], [sflag:$0x2], $0x1, s31, s13, $0xb8;
	[tilespmem:$0x2D80] =	vst v63  }
0x5d: {  	s19 =	simm.s32 $0x400  }
0x5e: {  	[spmem:s1] =	stream.indirect.scatter.add.f32 [tilespmem:s14], [sflag:$0x2], $0x1, s19, s13, $0xb8;
	[tilespmem:$0x2D80] =	vst v63  }
0x5f: {  	s20 =	simm.s32 $0x480  }
0x60: {  	[spmem:s1] =	stream.indirect.scatter.add.f32 [tilespmem:s14], [sflag:$0x2], $0x1, s20, s13, $0xb8;
	[tilespmem:$0x2D80] =	vst v63  }
0x61: {  	s21 =	simm.s32 $0x500  }
0x62: {  	[spmem:s1] =	stream.indirect.scatter.add.f32 [tilespmem:s14], [sflag:$0x2], $0x1, s21, s13, $0xb8;
	[tilespmem:$0x2D80] =	vst v63  }
0x63: {  	s22 =	simm.s32 $0x580  }
0x64: {  	[spmem:s1] =	stream.indirect.scatter.add.f32 [tilespmem:s14], [sflag:$0x2], $0x1, s22, s13, $0xb8;
	[tilespmem:$0x2D80] =	vst v63  }
0x65: {  	s23 =	simm.s32 $0x600  }
0x66: {  	[spmem:s1] =	stream.indirect.scatter.add.f32 [tilespmem:s14], [sflag:$0x2], $0x1, s23, s13, $0xb8;
	[tilespmem:$0x2D80] =	vst v63  }
0x67: {  	s24 =	simm.s32 $0x680  }
0x68: {  	[spmem:s1] =	stream.indirect.scatter.add.f32 [tilespmem:s14], [sflag:$0x2], $0x1, s24, s13, $0xb8;
	[tilespmem:$0x2D80] =	vst v63  }
0x69: {  	s25 =	simm.s32 $0x700  }
0x6a: {  	[spmem:s1] =	stream.indirect.scatter.add.f32 [tilespmem:s14], [sflag:$0x2], $0x1, s25, s13, $0xb8;
	[tilespmem:$0x2D80] =	vst v63  }
0x6b: {  	s26 =	simm.s32 $0x780  }
0x6c: {  	[spmem:s1] =	stream.indirect.scatter.add.f32 [tilespmem:s14], [sflag:$0x2], $0x1, s26, s13, $0xb8;
	[tilespmem:$0x2D80] =	vst v63  }
0x6d: {  	s28 =	simm.s32 $0x800  }
0x6e: {  	[spmem:s1] =	stream.indirect.scatter.add.f32 [tilespmem:s14], [sflag:$0x2], $0x1, s28, s13, $0xb8;
	[tilespmem:$0x2D80] =	vst v63  }
0x6f: {  	s29 =	simm.s32 $0x880  }
0x70: {  	[spmem:s1] =	stream.indirect.scatter.add.f32 [tilespmem:s14], [sflag:$0x2], $0x1, s29, s13, $0xb8;
	[tilespmem:$0x2D80] =	vst v63  }
0x71: {  	s30 =	simm.s32 $0x900  }
0x72: {  	[spmem:s1] =	stream.indirect.scatter.add.f32 [tilespmem:s14], [sflag:$0x2], $0x1, s30, s13, $0xb8;
	[tilespmem:$0x2D80] =	vst v63  }
0x73: {  	s31 =	simm.s32 $0x980  }
0x74: {  	[spmem:s1] =	stream.indirect.scatter.add.f32 [tilespmem:s14], [sflag:$0x2], $0x1, s31, s13, $0xb8;
	[tilespmem:$0x2D80] =	vst v63  }
0x75: {  	_ =	swait.ge [sflag:s15], $0x80  }
0x76: {  	[sflag:s15] =	ssyncset.done $0x0  }
0x77: {  	[sflag:s15] =	ssyncadd.s32 $0xFFFFFF80  }
0x78: {  	_ =	swait.ge [sflag:s15], $0x80  }
0x79: {  	[sflag:s15] =	ssyncset.done $0x0  }
0x7a: {  	[sflag:s15] =	ssyncadd.s32 $0xFFFFFF80  }
0x7b: {  	_ =	swait.ge [sflag:s15], $0x80  }
0x7c: {  	[sflag:s15] =	ssyncset.done $0x0  }
0x7d: {  	[sflag:s15] =	ssyncadd.s32 $0xFFFFFF80  }
0x7e: {  	_ =	swait.ge [sflag:s15], $0x80  }
0x7f: {  	[sflag:s15] =	ssyncset.done $0x0  }
0x80: {  	[sflag:s15] =	ssyncadd.s32 $0xFFFFFF80  }
0x81: {  	_ =	swait.ge [sflag:s15], $0x80  }
0x82: {  	[sflag:s15] =	ssyncset.done $0x0  }
0x83: {  	[sflag:s15] =	ssyncadd.s32 $0xFFFFFF80  }
0x84: {  	_ =	swait.ge [sflag:s15], $0x80  }
0x85: {  	[sflag:s15] =	ssyncset.done $0x0  }
0x86: {  	[sflag:s15] =	ssyncadd.s32 $0xFFFFFF80  }
0x87: {  	_ =	swait.ge [sflag:s15], $0x80  }
0x88: {  	[sflag:s15] =	ssyncset.done $0x0  }
0x89: {  	[sflag:s15] =	ssyncadd.s32 $0xFFFFFF80  }
0x8a: {  	_ =	swait.ge [sflag:s15], $0x80  }
0x8b: {  	[sflag:s15] =	ssyncset.done $0x0  }
0x8c: {  	[sflag:s15] =	ssyncadd.s32 $0xFFFFFF80  }
0x8d: {  	_ =	swait.ge [sflag:s15], $0x80  }
0x8e: {  	[sflag:s15] =	ssyncset.done $0x0  }
0x8f: {  	[sflag:s15] =	ssyncadd.s32 $0xFFFFFF80  }
0x90: {  	_ =	swait.ge [sflag:s15], $0x80  }
0x91: {  	[sflag:s15] =	ssyncset.done $0x0  }
0x92: {  	[sflag:s15] =	ssyncadd.s32 $0xFFFFFF80  }
0x93: {  	_ =	swait.ge [sflag:s15], $0x80  }
0x94: {  	[sflag:s15] =	ssyncset.done $0x0  }
0x95: {  	[sflag:s15] =	ssyncadd.s32 $0xFFFFFF80  }
0x96: {  	_ =	swait.ge [sflag:s15], $0x80  }
0x97: {  	[sflag:s15] =	ssyncset.done $0x0  }
0x98: {  	[sflag:s15] =	ssyncadd.s32 $0xFFFFFF80  }
0x99: {  	_ =	swait.ge [sflag:s15], $0x80  }
0x9a: {  	[sflag:s15] =	ssyncset.done $0x0  }
0x9b: {  	[sflag:s15] =	ssyncadd.s32 $0xFFFFFF80  }
0x9c: {  	_ =	swait.ge [sflag:s15], $0x80  }
0x9d: {  	[sflag:s15] =	ssyncset.done $0x0  }
0x9e: {  	[sflag:s15] =	ssyncadd.s32 $0xFFFFFF80  }
0x9f: {  	_ =	swait.ge [sflag:s15], $0x80  }
0xa0: {  	[sflag:s15] =	ssyncset.done $0x0  }
0xa1: {  	[sflag:s15] =	ssyncadd.s32 $0xFFFFFF80  }
0xa2: {  	_ =	swait.ge [sflag:s15], $0x80  }
0xa3: {  	[sflag:s15] =	ssyncset.done $0x0  }
0xa4: {  	[sflag:s15] =	ssyncadd.s32 $0xFFFFFF80  }
0xa5: {  	_ =	swait.ge [sflag:s15], $0x80  }
0xa6: {  	[sflag:s15] =	ssyncset.done $0x0  }
0xa7: {  	[sflag:s15] =	ssyncadd.s32 $0xFFFFFF80  }
0xa8: {  	_ =	swait.ge [sflag:s15], $0x80  }
0xa9: {  	[sflag:s15] =	ssyncset.done $0x0  }
0xaa: {  	[sflag:s15] =	ssyncadd.s32 $0xFFFFFF80  }
0xab: {  	_ =	swait.ge [sflag:s15], $0x80  }
0xac: {  	[sflag:s15] =	ssyncset.done $0x0  }
0xad: {  	[sflag:s15] =	ssyncadd.s32 $0xFFFFFF80  }
0xae: {  	_ =	swait.ge [sflag:s15], $0x80  }
0xaf: {  	s18 =	simm.s32 $0x2800;
	s21 =	simm.s32 $0x5000;
	[sflag:s15] =	ssyncset.done $0x0  }
.LBB2_2:
0xb0: {  	s20 =	sshra.s32 s18, $0x2  }
0xb1: {  	[sflag:s15] =	ssyncadd.s32 $0xFFFFFF80;
	s18 =	smov.u32 s21;
	s19 =	sadd.s32 $0x2800, s21  }
0xb2: {  	[spmem:s1] =	stream.indirect.scatter.add.f32 [tilespmem:s14], [sflag:$0x2], $0x1, s20, s13, $0xb8;
	[tilespmem:$0x2D80] =	vst v63  }
0xb3: {  	p1 =	sne.s32 s21, $0x7800;
	s21 =	sadd.s32 $0x80, s20  }
0xb4: {  	[spmem:s1] =	stream.indirect.scatter.add.f32 [tilespmem:s14], [sflag:$0x2], $0x1, s21, s13, $0xb8;
	[tilespmem:$0x2D80] =	vst v63  }
0xb5: {  	s21 =	sadd.s32 $0x100, s20  }
0xb6: {  	[spmem:s1] =	stream.indirect.scatter.add.f32 [tilespmem:s14], [sflag:$0x2], $0x1, s21, s13, $0xb8;
	[tilespmem:$0x2D80] =	vst v63  }
0xb7: {  	s21 =	sadd.s32 $0x180, s20  }
0xb8: {  	[spmem:s1] =	stream.indirect.scatter.add.f32 [tilespmem:s14], [sflag:$0x2], $0x1, s21, s13, $0xb8;
	[tilespmem:$0x2D80] =	vst v63  }
0xb9: {  	s21 =	sadd.s32 $0x200, s20  }
0xba: {  	[spmem:s1] =	stream.indirect.scatter.add.f32 [tilespmem:s14], [sflag:$0x2], $0x1, s21, s13, $0xb8;
	[tilespmem:$0x2D80] =	vst v63  }
0xbb: {  	s21 =	sadd.s32 $0x280, s20  }
0xbc: {  	[spmem:s1] =	stream.indirect.scatter.add.f32 [tilespmem:s14], [sflag:$0x2], $0x1, s21, s13, $0xb8;
	[tilespmem:$0x2D80] =	vst v63  }
0xbd: {  	s21 =	sadd.s32 $0x300, s20  }
0xbe: {  	[spmem:s1] =	stream.indirect.scatter.add.f32 [tilespmem:s14], [sflag:$0x2], $0x1, s21, s13, $0xb8;
	[tilespmem:$0x2D80] =	vst v63  }
0xbf: {  	s21 =	sadd.s32 $0x380, s20  }
0xc0: {  	[spmem:s1] =	stream.indirect.scatter.add.f32 [tilespmem:s14], [sflag:$0x2], $0x1, s21, s13, $0xb8;
	[tilespmem:$0x2D80] =	vst v63  }
0xc1: {  	s21 =	sadd.s32 $0x400, s20  }
0xc2: {  	[spmem:s1] =	stream.indirect.scatter.add.f32 [tilespmem:s14], [sflag:$0x2], $0x1, s21, s13, $0xb8;
	[tilespmem:$0x2D80] =	vst v63  }
0xc3: {  	s21 =	sadd.s32 $0x480, s20  }
0xc4: {  	[spmem:s1] =	stream.indirect.scatter.add.f32 [tilespmem:s14], [sflag:$0x2], $0x1, s21, s13, $0xb8;
	[tilespmem:$0x2D80] =	vst v63  }
0xc5: {  	s21 =	sadd.s32 $0x500, s20  }
0xc6: {  	[spmem:s1] =	stream.indirect.scatter.add.f32 [tilespmem:s14], [sflag:$0x2], $0x1, s21, s13, $0xb8;
	[tilespmem:$0x2D80] =	vst v63  }
0xc7: {  	s21 =	sadd.s32 $0x580, s20  }
0xc8: {  	[spmem:s1] =	stream.indirect.scatter.add.f32 [tilespmem:s14], [sflag:$0x2], $0x1, s21, s13, $0xb8;
	[tilespmem:$0x2D80] =	vst v63  }
0xc9: {  	s21 =	sadd.s32 $0x600, s20  }
0xca: {  	[spmem:s1] =	stream.indirect.scatter.add.f32 [tilespmem:s14], [sflag:$0x2], $0x1, s21, s13, $0xb8;
	[tilespmem:$0x2D80] =	vst v63  }
0xcb: {  	s21 =	sadd.s32 $0x680, s20  }
0xcc: {  	[spmem:s1] =	stream.indirect.scatter.add.f32 [tilespmem:s14], [sflag:$0x2], $0x1, s21, s13, $0xb8;
	[tilespmem:$0x2D80] =	vst v63  }
0xcd: {  	s21 =	sadd.s32 $0x700, s20  }
0xce: {  	[spmem:s1] =	stream.indirect.scatter.add.f32 [tilespmem:s14], [sflag:$0x2], $0x1, s21, s13, $0xb8;
	[tilespmem:$0x2D80] =	vst v63  }
0xcf: {  	s21 =	sadd.s32 $0x780, s20  }
0xd0: {  	[spmem:s1] =	stream.indirect.scatter.add.f32 [tilespmem:s14], [sflag:$0x2], $0x1, s21, s13, $0xb8;
	[tilespmem:$0x2D80] =	vst v63  }
0xd1: {  	s21 =	sadd.s32 $0x800, s20  }
0xd2: {  	[spmem:s1] =	stream.indirect.scatter.add.f32 [tilespmem:s14], [sflag:$0x2], $0x1, s21, s13, $0xb8;
	[tilespmem:$0x2D80] =	vst v63  }
0xd3: {  	s21 =	sadd.s32 $0x880, s20  }
0xd4: {  	[spmem:s1] =	stream.indirect.scatter.add.f32 [tilespmem:s14], [sflag:$0x2], $0x1, s21, s13, $0xb8;
	[tilespmem:$0x2D80] =	vst v63  }
0xd5: {  	s21 =	sadd.s32 $0x900, s20  }
0xd6: {  	[spmem:s1] =	stream.indirect.scatter.add.f32 [tilespmem:s14], [sflag:$0x2], $0x1, s21, s13, $0xb8;
	[tilespmem:$0x2D80] =	vst v63  }
0xd7: {  	s20 =	sadd.s32 $0x980, s20  }
0xd8: {  	[spmem:s1] =	stream.indirect.scatter.add.f32 [tilespmem:s14], [sflag:$0x2], $0x1, s20, s13, $0xb8;
	[tilespmem:$0x2D80] =	vst v63  }
0xd9: {  	_ =	swait.ge [sflag:s15], $0x80  }
0xda: {  	[sflag:s15] =	ssyncset.done $0x0  }
0xdb: {  	[sflag:s15] =	ssyncadd.s32 $0xFFFFFF80  }
0xdc: {  	_ =	swait.ge [sflag:s15], $0x80  }
0xdd: {  	[sflag:s15] =	ssyncset.done $0x0  }
0xde: {  	[sflag:s15] =	ssyncadd.s32 $0xFFFFFF80  }
0xdf: {  	_ =	swait.ge [sflag:s15], $0x80  }
0xe0: {  	[sflag:s15] =	ssyncset.done $0x0  }
0xe1: {  	[sflag:s15] =	ssyncadd.s32 $0xFFFFFF80  }
0xe2: {  	_ =	swait.ge [sflag:s15], $0x80  }
0xe3: {  	[sflag:s15] =	ssyncset.done $0x0  }
0xe4: {  	[sflag:s15] =	ssyncadd.s32 $0xFFFFFF80  }
0xe5: {  	_ =	swait.ge [sflag:s15], $0x80  }
0xe6: {  	[sflag:s15] =	ssyncset.done $0x0  }
0xe7: {  	[sflag:s15] =	ssyncadd.s32 $0xFFFFFF80  }
0xe8: {  	_ =	swait.ge [sflag:s15], $0x80  }
0xe9: {  	[sflag:s15] =	ssyncset.done $0x0  }
0xea: {  	[sflag:s15] =	ssyncadd.s32 $0xFFFFFF80  }
0xeb: {  	_ =	swait.ge [sflag:s15], $0x80  }
0xec: {  	[sflag:s15] =	ssyncset.done $0x0  }
0xed: {  	[sflag:s15] =	ssyncadd.s32 $0xFFFFFF80  }
0xee: {  	_ =	swait.ge [sflag:s15], $0x80  }
0xef: {  	[sflag:s15] =	ssyncset.done $0x0  }
0xf0: {  	[sflag:s15] =	ssyncadd.s32 $0xFFFFFF80  }
0xf1: {  	_ =	swait.ge [sflag:s15], $0x80  }
0xf2: {  	[sflag:s15] =	ssyncset.done $0x0  }
0xf3: {  	[sflag:s15] =	ssyncadd.s32 $0xFFFFFF80  }
0xf4: {  	_ =	swait.ge [sflag:s15], $0x80  }
0xf5: {  	[sflag:s15] =	ssyncset.done $0x0  }
0xf6: {  	[sflag:s15] =	ssyncadd.s32 $0xFFFFFF80  }
0xf7: {  	_ =	swait.ge [sflag:s15], $0x80  }
0xf8: {  	[sflag:s15] =	ssyncset.done $0x0  }
0xf9: {  	[sflag:s15] =	ssyncadd.s32 $0xFFFFFF80  }
0xfa: {  	_ =	swait.ge [sflag:s15], $0x80  }
0xfb: {  	[sflag:s15] =	ssyncset.done $0x0  }
0xfc: {  	[sflag:s15] =	ssyncadd.s32 $0xFFFFFF80  }
0xfd: {  	_ =	swait.ge [sflag:s15], $0x80  }
0xfe: {  	[sflag:s15] =	ssyncset.done $0x0  }
0xff: {  	[sflag:s15] =	ssyncadd.s32 $0xFFFFFF80  }
0x100: {  	_ =	swait.ge [sflag:s15], $0x80  }
0x101: {  	[sflag:s15] =	ssyncset.done $0x0  }
0x102: {  	[sflag:s15] =	ssyncadd.s32 $0xFFFFFF80  }
0x103: {  	_ =	swait.ge [sflag:s15], $0x80  }
0x104: {  	[sflag:s15] =	ssyncset.done $0x0  }
0x105: {  	[sflag:s15] =	ssyncadd.s32 $0xFFFFFF80  }
0x106: {  	_ =	swait.ge [sflag:s15], $0x80  }
0x107: {  	[sflag:s15] =	ssyncset.done $0x0  }
0x108: {  	[sflag:s15] =	ssyncadd.s32 $0xFFFFFF80  }
0x109: {  	_ =	swait.ge [sflag:s15], $0x80  }
0x10a: {  	[sflag:s15] =	ssyncset.done $0x0  }
0x10b: {  	[sflag:s15] =	ssyncadd.s32 $0xFFFFFF80  }
0x10c: {  	_ =	swait.ge [sflag:s15], $0x80  }
0x10d: {  	[sflag:s15] =	ssyncset.done $0x0  }
0x10e: {  	[sflag:s15] =	ssyncadd.s32 $0xFFFFFF80  }
.Ltmp0:
0x10f: {  	_ =	swait.ge [sflag:s15], $0x80;
	(pc) =	sbr.rel @p1 .LBB2_2-.Ltmp0, $4  }
0x110: {  	[sflag:s15] =	ssyncset.done $0x0  }
0x111: {  	[sflag:s15] =	ssyncadd.s32 $0xFFFFFF80  }
0x112: {  	_ =	swait.ge [sflag:s15], $0x80  }
0x113: {  	s21 =	smov.u32 s19;
	[sflag:s15] =	ssyncset.done $0x0  }
0x114: {  	s18 =	sshra.s32 s18, $0x2;
	[sflag:s15] =	ssyncadd.s32 $0xFFFFFF80  }
0x115: {  	[spmem:s1] =	stream.indirect.scatter.add.f32 [tilespmem:s14], [sflag:$0x2], $0x1, s18, s13, $0xb8;
	[tilespmem:$0x2D80] =	vst v63  }
0x116: {  	s19 =	sadd.s32 $0x80, s18  }
0x117: {  	[spmem:s1] =	stream.indirect.scatter.add.f32 [tilespmem:s14], [sflag:$0x2], $0x1, s19, s13, $0xb8;
	[tilespmem:$0x2D80] =	vst v63  }
0x118: {  	s25 =	sadd.s32 $0x100, s18  }
0x119: {  	[spmem:s1] =	stream.indirect.scatter.add.f32 [tilespmem:s14], [sflag:$0x2], $0x1, s25, s13, $0xb8;
	[tilespmem:$0x2D80] =	vst v63  }
0x11a: {  	s26 =	sadd.s32 $0x180, s18  }
0x11b: {  	[spmem:s1] =	stream.indirect.scatter.add.f32 [tilespmem:s14], [sflag:$0x2], $0x1, s26, s13, $0xb8;
	[tilespmem:$0x2D80] =	vst v63  }
0x11c: {  	s28 =	sadd.s32 $0x200, s18  }
0x11d: {  	[spmem:s1] =	stream.indirect.scatter.add.f32 [tilespmem:s14], [sflag:$0x2], $0x1, s28, s13, $0xb8;
	[tilespmem:$0x2D80] =	vst v63  }
0x11e: {  	s29 =	sadd.s32 $0x280, s18  }
0x11f: {  	[spmem:s1] =	stream.indirect.scatter.add.f32 [tilespmem:s14], [sflag:$0x2], $0x1, s29, s13, $0xb8;
	[tilespmem:$0x2D80] =	vst v63  }
0x120: {  	s30 =	sadd.s32 $0x300, s18  }
0x121: {  	[spmem:s1] =	stream.indirect.scatter.add.f32 [tilespmem:s14], [sflag:$0x2], $0x1, s30, s13, $0xb8;
	[tilespmem:$0x2D80] =	vst v63  }
0x122: {  	s31 =	sadd.s32 $0x380, s18  }
0x123: {  	[spmem:s1] =	stream.indirect.scatter.add.f32 [tilespmem:s14], [sflag:$0x2], $0x1, s31, s13, $0xb8;
	[tilespmem:$0x2D80] =	vst v63  }
0x124: {  	s20 =	sadd.s32 $0x400, s18  }
0x125: {  	[spmem:s1] =	stream.indirect.scatter.add.f32 [tilespmem:s14], [sflag:$0x2], $0x1, s20, s13, $0xb8;
	[tilespmem:$0x2D80] =	vst v63  }
0x126: {  	s21 =	sadd.s32 $0x480, s18  }
0x127: {  	[spmem:s1] =	stream.indirect.scatter.add.f32 [tilespmem:s14], [sflag:$0x2], $0x1, s21, s13, $0xb8;
	[tilespmem:$0x2D80] =	vst v63  }
0x128: {  	s22 =	sadd.s32 $0x500, s18  }
0x129: {  	[spmem:s1] =	stream.indirect.scatter.add.f32 [tilespmem:s14], [sflag:$0x2], $0x1, s22, s13, $0xb8;
	[tilespmem:$0x2D80] =	vst v63  }
0x12a: {  	s23 =	sadd.s32 $0x580, s18  }
0x12b: {  	[spmem:s1] =	stream.indirect.scatter.add.f32 [tilespmem:s14], [sflag:$0x2], $0x1, s23, s13, $0xb8;
	[tilespmem:$0x2D80] =	vst v63  }
0x12c: {  	s24 =	sadd.s32 $0x600, s18  }
0x12d: {  	[spmem:s1] =	stream.indirect.scatter.add.f32 [tilespmem:s14], [sflag:$0x2], $0x1, s24, s13, $0xb8;
	[tilespmem:$0x2D80] =	vst v63  }
0x12e: {  	s25 =	sadd.s32 $0x680, s18  }
0x12f: {  	[spmem:s1] =	stream.indirect.scatter.add.f32 [tilespmem:s14], [sflag:$0x2], $0x1, s25, s13, $0xb8;
	[tilespmem:$0x2D80] =	vst v63  }
0x130: {  	s26 =	sadd.s32 $0x700, s18  }
0x131: {  	[spmem:s1] =	stream.indirect.scatter.add.f32 [tilespmem:s14], [sflag:$0x2], $0x1, s26, s13, $0xb8;
	[tilespmem:$0x2D80] =	vst v63  }
0x132: {  	s28 =	sadd.s32 $0x780, s18  }
0x133: {  	[spmem:s1] =	stream.indirect.scatter.add.f32 [tilespmem:s14], [sflag:$0x2], $0x1, s28, s13, $0xb8;
	[tilespmem:$0x2D80] =	vst v63  }
0x134: {  	s29 =	sadd.s32 $0x800, s18  }
0x135: {  	[spmem:s1] =	stream.indirect.scatter.add.f32 [tilespmem:s14], [sflag:$0x2], $0x1, s29, s13, $0xb8;
	[tilespmem:$0x2D80] =	vst v63  }
0x136: {  	s30 =	sadd.s32 $0x880, s18  }
0x137: {  	[spmem:s1] =	stream.indirect.scatter.add.f32 [tilespmem:s14], [sflag:$0x2], $0x1, s30, s13, $0xb8;
	[tilespmem:$0x2D80] =	vst v63  }
0x138: {  	s31 =	sadd.s32 $0x900, s18  }
0x139: {  	[spmem:s1] =	stream.indirect.scatter.add.f32 [tilespmem:s14], [sflag:$0x2], $0x1, s31, s13, $0xb8;
	[tilespmem:$0x2D80] =	vst v63  }
0x13a: {  	s18 =	sadd.s32 $0x980, s18  }
0x13b: {  	[spmem:s1] =	stream.indirect.scatter.add.f32 [tilespmem:s14], [sflag:$0x2], $0x1, s18, s13, $0xb8;
	[tilespmem:$0x2D80] =	vst v63  }
0x13c: {  	_ =	swait.ge [sflag:s15], $0x80  }
0x13d: {  	[sflag:s15] =	ssyncset.done $0x0  }
0x13e: {  	[sflag:s15] =	ssyncadd.s32 $0xFFFFFF80  }
0x13f: {  	_ =	swait.ge [sflag:s15], $0x80  }
0x140: {  	[sflag:s15] =	ssyncset.done $0x0  }
0x141: {  	[sflag:s15] =	ssyncadd.s32 $0xFFFFFF80  }
0x142: {  	_ =	swait.ge [sflag:s15], $0x80  }
0x143: {  	[sflag:s15] =	ssyncset.done $0x0  }
0x144: {  	[sflag:s15] =	ssyncadd.s32 $0xFFFFFF80  }
0x145: {  	_ =	swait.ge [sflag:s15], $0x80  }
0x146: {  	[sflag:s15] =	ssyncset.done $0x0  }
0x147: {  	[sflag:s15] =	ssyncadd.s32 $0xFFFFFF80  }
0x148: {  	_ =	swait.ge [sflag:s15], $0x80  }
0x149: {  	[sflag:s15] =	ssyncset.done $0x0  }
0x14a: {  	[sflag:s15] =	ssyncadd.s32 $0xFFFFFF80  }
0x14b: {  	_ =	swait.ge [sflag:s15], $0x80  }
0x14c: {  	[sflag:s15] =	ssyncset.done $0x0  }
0x14d: {  	[sflag:s15] =	ssyncadd.s32 $0xFFFFFF80  }
0x14e: {  	_ =	swait.ge [sflag:s15], $0x80  }
0x14f: {  	[sflag:s15] =	ssyncset.done $0x0  }
0x150: {  	[sflag:s15] =	ssyncadd.s32 $0xFFFFFF80  }
0x151: {  	_ =	swait.ge [sflag:s15], $0x80  }
0x152: {  	[sflag:s15] =	ssyncset.done $0x0  }
0x153: {  	[sflag:s15] =	ssyncadd.s32 $0xFFFFFF80  }
0x154: {  	_ =	swait.ge [sflag:s15], $0x80  }
0x155: {  	[sflag:s15] =	ssyncset.done $0x0  }
0x156: {  	[sflag:s15] =	ssyncadd.s32 $0xFFFFFF80  }
0x157: {  	_ =	swait.ge [sflag:s15], $0x80  }
0x158: {  	[sflag:s15] =	ssyncset.done $0x0  }
0x159: {  	[sflag:s15] =	ssyncadd.s32 $0xFFFFFF80  }
0x15a: {  	_ =	swait.ge [sflag:s15], $0x80  }
0x15b: {  	[sflag:s15] =	ssyncset.done $0x0  }
0x15c: {  	[sflag:s15] =	ssyncadd.s32 $0xFFFFFF80  }
0x15d: {  	_ =	swait.ge [sflag:s15], $0x80  }
0x15e: {  	[sflag:s15] =	ssyncset.done $0x0  }
0x15f: {  	[sflag:s15] =	ssyncadd.s32 $0xFFFFFF80  }
0x160: {  	_ =	swait.ge [sflag:s15], $0x80  }
0x161: {  	[sflag:s15] =	ssyncset.done $0x0  }
0x162: {  	[sflag:s15] =	ssyncadd.s32 $0xFFFFFF80  }
0x163: {  	_ =	swait.ge [sflag:s15], $0x80  }
0x164: {  	[sflag:s15] =	ssyncset.done $0x0  }
0x165: {  	[sflag:s15] =	ssyncadd.s32 $0xFFFFFF80  }
0x166: {  	_ =	swait.ge [sflag:s15], $0x80  }
0x167: {  	[sflag:s15] =	ssyncset.done $0x0  }
0x168: {  	[sflag:s15] =	ssyncadd.s32 $0xFFFFFF80  }
0x169: {  	_ =	swait.ge [sflag:s15], $0x80  }
0x16a: {  	[sflag:s15] =	ssyncset.done $0x0  }
0x16b: {  	[sflag:s15] =	ssyncadd.s32 $0xFFFFFF80  }
0x16c: {  	_ =	swait.ge [sflag:s15], $0x80  }
0x16d: {  	[sflag:s15] =	ssyncset.done $0x0  }
0x16e: {  	[sflag:s15] =	ssyncadd.s32 $0xFFFFFF80  }
0x16f: {  	_ =	swait.ge [sflag:s15], $0x80  }
0x170: {  	[sflag:s15] =	ssyncset.done $0x0  }
0x171: {  	[sflag:s15] =	ssyncadd.s32 $0xFFFFFF80  }
0x172: {  	_ =	swait.ge [sflag:s15], $0x80  }
0x173: {  	[sflag:s15] =	ssyncset.done $0x0  }
0x174: {  	[sflag:s15] =	ssyncadd.s32 $0xFFFFFF80  }
0x175: {  	_ =	swait.ge [sflag:s15], $0x80  }
0x176: {  	s3 =	sadd.s32 $0x1, s3;
	[sflag:s15] =	ssyncset.done $0x0  }
0x177: {  	p1 =	sne.s32 s3, s8;
	[sflag:s15] =	ssyncadd.s32 $0xFFFFFF80  }
.Ltmp1:
0x178: {  	[bflag:$0x0] =	sbarrier.arrive $0xFFFF;
	(pc) =	sbr.rel @p1 .LBB2_1-.Ltmp1, $4  }
0x179: {  	[hbm:s9], [sflag:s16] =	dma.local [spmem:s17], $0x50  }
0x17a: {  	_ =	swait.ge [sflag:s11], $0x50  }
0x17b: {  	[sflag:s11] =	ssyncset.done $0x0  }
0x17c: {  	[sflag:s11] =	ssyncadd.s32 $0xFFFFFFB0  }
0x17d: {  	_ =	sfence.sel $0x180000  }
0x17e: {  	[bflag:$0x0] =	sbarrier.arrive $0xFFFF  }
0x17f: {  	p0 =	sne.s32 s2, $0x0;
	_ =	strace $0x90000047  }
0x180: {  	s0 =	sadd.s32 @!p0 $0x100000, s0;
	[bflag:$0x2] =	sbarrier.arrive $0xFFFF  }
0x181: {  	[sflag:s0] =	ssyncadd.tile.s32 @!p0 $0x1;
	_ =	shalt  }
.Lfunc_end2:
_tile_overlayer_lowered:
.L_overlay_start_2:
0x182: {  	(tag) =	ssettag $0x2  }
0x183: {  	s0 =	rddreg [dreg:$0x0];
	s2 =	stileid.u32  }
0x184: {  	s1 =	rddreg [dreg:$0x1];
	p0 =	sne.s32 s2, $0x0  }
0x185: {  	s3 =	rddreg [dreg:$0x2];
	[bflag:$0x3] =	sbarrier.arrive $0xFFFF;
	s2 =	simm.s32 @!p0 $0x1C03  }
0x186: {  	[timem:s3], [sflag:s2] =	dma.local @!p0 [hbm:s0], s1  }
0x187: {  	s0 =	simm.s32 @!p0 $0x3  }
0x188: {  	_ =	swait.ge @!p0 [sflag:s0], s1  }
0x189: {  	s1 =	ssub.s32 @!p0 $0x0, s1;
	[sflag:s0] =	ssyncset.done @!p0 $0x0  }
0x18a: {  	[sflag:s0] =	ssyncadd.s32 @!p0 s1  }
0x18b: {  	[bflag:$0x3] =	sbarrier.arrive $0xFFFF  }
0x18c: {  	_ =	shalt  }

</sc_bundles>
